<compile_context>
chip_gen: v7x
topology: tpu7x:2x2x1
jax: 0.10.2.dev20260603
libtpu: 0.0.44.dev20260713+nightly
codegen_flags: <defaults>
</compile_context>

<pallas_src>
import functools

import jax
import jax.numpy as jnp
from jax import lax
from jax.experimental import pallas as pl
from jax.experimental.pallas import tpu as pltpu
from jax.experimental.pallas import tpu_sc as plsc


def _dist_argmin_body(f_ref, e_ref, f2_ref, e2_ref, idx_ref, acc_ref):
    n = e_ref.shape[0]
    dot = lax.dot_general(2.0 * f_ref[...], e_ref[...],
                          (((1,), (1,)), ((), ())),
                          preferred_element_type=jnp.float32)
    dist = (lax.transpose(f2_ref[...], (1, 0)) - dot) + e2_ref[...]
    m = jnp.min(dist, axis=1, keepdims=True)
    iota = lax.broadcasted_iota(jnp.int32, dist.shape, 1)
    idx = jnp.min(jnp.where(dist == m, iota, n), axis=1, keepdims=True)
    idx_ref[...] = lax.transpose(idx, (1, 0))

    @pl.when(pl.program_id(0) == 0)
    def _():
        acc_ref[0, 0] = 0.0

    acc_ref[0, 0] += jnp.sum(m)


def _dist_argmin(flat, embedding, f2r, e2, bm, row0, rows):
    d = flat.shape[1]
    n = embedding.shape[0]
    off = row0 // bm
    return pl.pallas_call(
        _dist_argmin_body,
        grid=(rows // bm,),
        in_specs=[
            pl.BlockSpec((bm, d), lambda i: (i + off, 0)),
            pl.BlockSpec((n, d), lambda i: (0, 0)),
            pl.BlockSpec((1, bm), lambda i: (0, i + off)),
            pl.BlockSpec((1, n), lambda i: (0, 0)),
        ],
        out_specs=[
            pl.BlockSpec((1, bm), lambda i: (0, i)),
            pl.BlockSpec((1, 1), lambda i: (0, 0), memory_space=pltpu.SMEM),
        ],
        out_shape=[
            jax.ShapeDtypeStruct((1, rows), jnp.int32),
            jax.ShapeDtypeStruct((1, 1), jnp.float32),
        ],
    )(flat, embedding, f2r, e2)


def _make_sc_gather(d, b, out_rows):
    info = plsc.get_sparse_core_info()
    nc, ns = info.num_cores, info.num_subcores
    nw = nc * ns
    assert b % (8 * nw) == 0
    b_per_w = b // nw
    chunks = 2
    while (b_per_w // chunks) * d * 4 > 230_000 or b_per_w % chunks:
        chunks += 1
    rpc = b_per_w // chunks
    mesh = plsc.VectorSubcoreMesh(core_axis_name="c", subcore_axis_name="s")

    @functools.partial(
        pl.kernel,
        out_type=jax.ShapeDtypeStruct((out_rows, d), jnp.float32),
        mesh=mesh,
        scratch_types=[
            pltpu.VMEM((b_per_w,), jnp.int32),
            pltpu.VMEM((rpc, d), jnp.float32),
            pltpu.VMEM((rpc, d), jnp.float32),
            pltpu.SemaphoreType.DMA,
            pltpu.SemaphoreType.DMA,
            pltpu.SemaphoreType.DMA,
            pltpu.SemaphoreType.DMA,
        ],
    )
    def gather(table_hbm, idx_hbm, out_hbm, idx_v, buf0, buf1, g0, g1, s0, s1):
        wid = lax.axis_index("s") * nc + lax.axis_index("c")
        base = wid * b_per_w
        bufs, gsem, ssem = (buf0, buf1), (g0, g1), (s0, s1)
        pltpu.sync_copy(idx_hbm.at[pl.ds(base, b_per_w)], idx_v)

        gathers = [None, None]
        scatters = [None, None]
        gathers[0] = pltpu.async_copy(
            table_hbm.at[idx_v.at[pl.ds(0, rpc)]], bufs[0], gsem[0])
        for c in range(chunks):
            cur = c % 2
            nxt = (c + 1) % 2
            gathers[cur].wait()
            if c + 1 < chunks:
                if scatters[nxt] is not None:
                    scatters[nxt].wait()
                    scatters[nxt] = None
                gathers[nxt] = pltpu.async_copy(
                    table_hbm.at[idx_v.at[pl.ds((c + 1) * rpc, rpc)]],
                    bufs[nxt], gsem[nxt])
            scatters[cur] = pltpu.async_copy(
                bufs[cur], out_hbm.at[pl.ds(base + c * rpc, rpc)], ssem[cur])
        for s in scatters:
            if s is not None:
                s.wait()

    return gather


def kernel(z_e, embedding):
    d = embedding.shape[1]
    n = embedding.shape[0]
    flat = z_e.reshape(-1, d)
    m = flat.shape[0]
    f2r = jnp.sum(flat ** 2, axis=1).reshape(1, m)
    e2 = jnp.sum(embedding ** 2, axis=1).reshape(1, n)

    m0 = (m * 2) // 3
    m1 = m - m0
    idx0, loss0 = _dist_argmin(flat, embedding, f2r, e2, bm=1024,
                               row0=0, rows=m0)
    idx1, loss1 = _dist_argmin(flat, embedding, f2r, e2, bm=1024,
                               row0=m0, rows=m1)

    zq0 = _make_sc_gather(d, m0, m)(embedding, idx0.reshape(m0))
    zq1 = _make_sc_gather(d, m1, m1)(embedding, idx1.reshape(m1))
    z_q = lax.dynamic_update_slice(zq0, zq1, (m0, 0))

    idx = jnp.concatenate([idx0.reshape(m0), idx1.reshape(m1)])
    vq_loss = (loss0[0, 0] + loss1[0, 0]) * (1.25 / (m * d))
    return z_q.reshape(z_e.shape), idx, vq_loss

# --- scband reference (transcript-rebuilt; emitter-appended) ---
"""Pipeline reference for scband-vqembedding-ema-14010183319980 (READ-ONLY COPY).

The authoritative reference and input builder live on the scoring server;
editing this copy changes nothing except your own understanding.
"""

import jax, jax.numpy as jnp
import numpy as np

NUM_EMBEDDINGS = 2048
EMBEDDING_DIM = 512

def setup_inputs(seed: int = 0) -> dict:
    key = jax.random.key(seed)
    k1, k2 = jax.random.split(key)
    z_e = jax.random.normal(k1, (16, 576, EMBEDDING_DIM), dtype=jnp.float32)
    embedding = jax.random.normal(k2, (NUM_EMBEDDINGS, EMBEDDING_DIM), dtype=jnp.float32)
    return {"z_e": z_e, "embedding": embedding}

def reference(z_e, embedding):
    # Eval-mode forward of VQEmbeddingEMA (EMA buffer updates are training-only side effects).
    D = embedding.shape[1]
    flat = z_e.reshape(-1, D)
    # squared L2 distance to every codebook entry
    dist = (jnp.sum(flat ** 2, axis=1, keepdims=True)
            - 2.0 * flat @ embedding.T
            + jnp.sum(embedding ** 2, axis=1))
    idx = jnp.argmin(dist, axis=1)
    z_q = jnp.take(embedding, idx, axis=0).reshape(z_e.shape)
    # straight-through estimator
    z_q_st = z_e + jax.lax.stop_gradient(z_q - z_e)
    commit_loss = jnp.mean((jax.lax.stop_gradient(z_e) - z_q_st) ** 2)
    codebook_loss = jnp.mean((z_e - jax.lax.stop_gradient(z_q_st)) ** 2)
    vq_loss = codebook_loss + 0.25 * commit_loss
    return (z_q_st, idx, vq_loss)

if __name__ == "__main__":
    import jax
    _d = setup_inputs()
    print(jax.jit(kernel)(*tuple(_d.values())))

</pallas_src>

<mosaic_0001>
#map = affine_map<(d0, d1) -> (0, 0)>
#map1 = affine_map<(d0, d1) -> (0)>
module attributes {stable_mosaic.version = 14 : i64} {
  func.func @gather(%arg0: i32, %arg1: i32, %arg2: memref<2048x512xf32, #tpu.memory_space<hbm>>, %arg3: memref<3072xi32, #tpu.memory_space<hbm>>, %arg4: memref<3072x512xf32, #tpu.memory_space<hbm>>, %arg5: memref<96xi32, #tpu.memory_space<vmem>>, %arg6: memref<48x512xf32, #tpu.memory_space<vmem>>, %arg7: memref<48x512xf32, #tpu.memory_space<vmem>>, %arg8: memref<!tpu.dma_semaphore, #tpu.memory_space<semaphore_mem>>, %arg9: memref<!tpu.dma_semaphore, #tpu.memory_space<semaphore_mem>>, %arg10: memref<!tpu.dma_semaphore, #tpu.memory_space<semaphore_mem>>, %arg11: memref<!tpu.dma_semaphore, #tpu.memory_space<semaphore_mem>>) attributes {dimension_semantics = [#tpu.dimension_semantics<core_parallel>, #tpu.dimension_semantics<subcore_parallel>], iteration_bounds = array<i64: 2, 16>, scalar_prefetch = 0 : i64, scratch_operands = 7 : i64, tpu.core_type = #tpu.core_type<sc_vector_subcore>, window_params = [{transform_indices = #map}, {transform_indices = #map1}, {transform_indices = #map}]} {
    %mul3A = arith.constant 2 : i32
    %mul3A_0 = arith.muli %arg1, %mul3A : i32
    %add3A = arith.addi %mul3A_0, %arg0 : i32
    %mul3A_1 = arith.constant 96 : i32
    %mul3A_2 = arith.muli %add3A, %mul3A_1 : i32
    "tpu.region"() ({
      %run_scoped3A = tpu.sem_alloc : memref<!tpu.dma_semaphore, #tpu.memory_space<semaphore_mem>>
      %dma_start3A_41 = tpu.memref_slice %arg3[%mul3A_2] : memref<3072xi32, #tpu.memory_space<hbm>> -> memref<96xi32, #tpu.memory_space<hbm>>
      %dma_start3A_42 = tpu.memref_slice %arg3[%mul3A_2] : memref<3072xi32, #tpu.memory_space<hbm>> -> memref<96xi32, #tpu.memory_space<hbm>>
      tpu.enqueue_dma source(%dma_start3A_42 : memref<96xi32, #tpu.memory_space<hbm>>) target(%arg5 : memref<96xi32, #tpu.memory_space<vmem>>) target_semaphore(%run_scoped3A : memref<!tpu.dma_semaphore, #tpu.memory_space<semaphore_mem>>)
      %dma_wait3A_43 = tpu.memref_slice %arg3[%mul3A_2] : memref<3072xi32, #tpu.memory_space<hbm>> -> memref<96xi32, #tpu.memory_space<hbm>>
      %dma_wait3A_44 = tpu.memref_slice %arg3[%mul3A_2] : memref<3072xi32, #tpu.memory_space<hbm>> -> memref<96xi32, #tpu.memory_space<hbm>>
      tpu.wait_dma2 semaphore(%run_scoped3A : memref<!tpu.dma_semaphore, #tpu.memory_space<semaphore_mem>>) src(%dma_wait3A_44 : memref<96xi32, #tpu.memory_space<hbm>>) dst(%arg5 : memref<96xi32, #tpu.memory_space<vmem>>)
      tpu.yield
    }) : () -> ()
    %dma_start3A = arith.constant 0 : i32
    %dma_start3A_3 = tpu.memref_slice %arg5[%dma_start3A] : memref<96xi32, #tpu.memory_space<vmem>> -> memref<48xi32, #tpu.memory_space<vmem>>
    %dma_start3A_4 = arith.constant 0 : i32
    %dma_start3A_5 = arith.constant 0 : i32
    %dma_start3A_6 = tpu.memref_slice %arg2[%dma_start3A_4, %dma_start3A_5] : memref<2048x512xf32, #tpu.memory_space<hbm>> -> memref<2048x512xf32, #tpu.memory_space<hbm>>
    tpu.enqueue_indirect_dma source(%dma_start3A_6 : memref<2048x512xf32, #tpu.memory_space<hbm>>) target(%arg6 : memref<48x512xf32, #tpu.memory_space<vmem>>) offsets(%dma_start3A_3 : memref<48xi32, #tpu.memory_space<vmem>>) semaphore(%arg8 : memref<!tpu.dma_semaphore, #tpu.memory_space<semaphore_mem>>)
    %dma_wait3A = arith.constant 0 : i32
    %dma_wait3A_7 = tpu.memref_slice %arg5[%dma_wait3A] : memref<96xi32, #tpu.memory_space<vmem>> -> memref<48xi32, #tpu.memory_space<vmem>>
    %dma_wait3A_8 = arith.constant 0 : i32
    %dma_wait3A_9 = arith.constant 0 : i32
    %dma_wait3A_10 = tpu.memref_slice %arg2[%dma_wait3A_8, %dma_wait3A_9] : memref<2048x512xf32, #tpu.memory_space<hbm>> -> memref<2048x512xf32, #tpu.memory_space<hbm>>
    tpu.wait_indirect_dma semaphore(%arg8 : memref<!tpu.dma_semaphore, #tpu.memory_space<semaphore_mem>>) src(%dma_wait3A_10 : memref<2048x512xf32, #tpu.memory_space<hbm>>) dst(%arg6 : memref<48x512xf32, #tpu.memory_space<vmem>>)
    %dma_start3A_11 = arith.constant 48 : i32
    %dma_start3A_12 = tpu.memref_slice %arg5[%dma_start3A_11] : memref<96xi32, #tpu.memory_space<vmem>> -> memref<48xi32, #tpu.memory_space<vmem>>
    %dma_start3A_13 = arith.constant 0 : i32
    %dma_start3A_14 = arith.constant 0 : i32
    %dma_start3A_15 = tpu.memref_slice %arg2[%dma_start3A_13, %dma_start3A_14] : memref<2048x512xf32, #tpu.memory_space<hbm>> -> memref<2048x512xf32, #tpu.memory_space<hbm>>
    tpu.enqueue_indirect_dma source(%dma_start3A_15 : memref<2048x512xf32, #tpu.memory_space<hbm>>) target(%arg7 : memref<48x512xf32, #tpu.memory_space<vmem>>) offsets(%dma_start3A_12 : memref<48xi32, #tpu.memory_space<vmem>>) semaphore(%arg9 : memref<!tpu.dma_semaphore, #tpu.memory_space<semaphore_mem>>)
    %add3A_16 = arith.constant 0 : i32
    %add3A_17 = arith.addi %mul3A_2, %add3A_16 : i32
    %dma_start3A_18 = arith.constant 0 : i32
    %dma_start3A_19 = tpu.memref_slice %arg4[%add3A_17, %dma_start3A_18] : memref<3072x512xf32, #tpu.memory_space<hbm>> -> memref<48x512xf32, #tpu.memory_space<hbm>>
    %dma_start3A_20 = arith.constant 0 : i32
    %dma_start3A_21 = tpu.memref_slice %arg4[%add3A_17, %dma_start3A_20] : memref<3072x512xf32, #tpu.memory_space<hbm>> -> memref<48x512xf32, #tpu.memory_space<hbm>>
    tpu.enqueue_dma source(%arg6 : memref<48x512xf32, #tpu.memory_space<vmem>>) target(%dma_start3A_21 : memref<48x512xf32, #tpu.memory_space<hbm>>) target_semaphore(%arg10 : memref<!tpu.dma_semaphore, #tpu.memory_space<semaphore_mem>>)
    %dma_wait3A_22 = arith.constant 48 : i32
    %dma_wait3A_23 = tpu.memref_slice %arg5[%dma_wait3A_22] : memref<96xi32, #tpu.memory_space<vmem>> -> memref<48xi32, #tpu.memory_space<vmem>>
    %dma_wait3A_24 = arith.constant 0 : i32
    %dma_wait3A_25 = arith.constant 0 : i32
    %dma_wait3A_26 = tpu.memref_slice %arg2[%dma_wait3A_24, %dma_wait3A_25] : memref<2048x512xf32, #tpu.memory_space<hbm>> -> memref<2048x512xf32, #tpu.memory_space<hbm>>
    tpu.wait_indirect_dma semaphore(%arg9 : memref<!tpu.dma_semaphore, #tpu.memory_space<semaphore_mem>>) src(%dma_wait3A_26 : memref<2048x512xf32, #tpu.memory_space<hbm>>) dst(%arg7 : memref<48x512xf32, #tpu.memory_space<vmem>>)
    %add3A_27 = arith.constant 48 : i32
    %add3A_28 = arith.addi %mul3A_2, %add3A_27 : i32
    %dma_start3A_29 = arith.constant 0 : i32
    %dma_start3A_30 = tpu.memref_slice %arg4[%add3A_28, %dma_start3A_29] : memref<3072x512xf32, #tpu.memory_space<hbm>> -> memref<48x512xf32, #tpu.memory_space<hbm>>
    %dma_start3A_31 = arith.constant 0 : i32
    %dma_start3A_32 = tpu.memref_slice %arg4[%add3A_28, %dma_start3A_31] : memref<3072x512xf32, #tpu.memory_space<hbm>> -> memref<48x512xf32, #tpu.memory_space<hbm>>
    tpu.enqueue_dma source(%arg7 : memref<48x512xf32, #tpu.memory_space<vmem>>) target(%dma_start3A_32 : memref<48x512xf32, #tpu.memory_space<hbm>>) target_semaphore(%arg11 : memref<!tpu.dma_semaphore, #tpu.memory_space<semaphore_mem>>)
    %dma_wait3A_33 = arith.constant 0 : i32
    %dma_wait3A_34 = tpu.memref_slice %arg4[%add3A_17, %dma_wait3A_33] : memref<3072x512xf32, #tpu.memory_space<hbm>> -> memref<48x512xf32, #tpu.memory_space<hbm>>
    %dma_wait3A_35 = arith.constant 0 : i32
    %dma_wait3A_36 = tpu.memref_slice %arg4[%add3A_17, %dma_wait3A_35] : memref<3072x512xf32, #tpu.memory_space<hbm>> -> memref<48x512xf32, #tpu.memory_space<hbm>>
    tpu.wait_dma2 semaphore(%arg10 : memref<!tpu.dma_semaphore, #tpu.memory_space<semaphore_mem>>) src(%arg6 : memref<48x512xf32, #tpu.memory_space<vmem>>) dst(%dma_wait3A_36 : memref<48x512xf32, #tpu.memory_space<hbm>>)
    %dma_wait3A_37 = arith.constant 0 : i32
    %dma_wait3A_38 = tpu.memref_slice %arg4[%add3A_28, %dma_wait3A_37] : memref<3072x512xf32, #tpu.memory_space<hbm>> -> memref<48x512xf32, #tpu.memory_space<hbm>>
    %dma_wait3A_39 = arith.constant 0 : i32
    %dma_wait3A_40 = tpu.memref_slice %arg4[%add3A_28, %dma_wait3A_39] : memref<3072x512xf32, #tpu.memory_space<hbm>> -> memref<48x512xf32, #tpu.memory_space<hbm>>
    tpu.wait_dma2 semaphore(%arg11 : memref<!tpu.dma_semaphore, #tpu.memory_space<semaphore_mem>>) src(%arg7 : memref<48x512xf32, #tpu.memory_space<vmem>>) dst(%dma_wait3A_40 : memref<48x512xf32, #tpu.memory_space<hbm>>)
    return
  }
}

#map = affine_map<(d0, d1) -> (0, 0)>
#map1 = affine_map<(d0, d1) -> (0)>
module attributes {stable_mosaic.version = 14 : i64} {
  func.func @gather(%arg0: i32, %arg1: i32, %arg2: memref<2048x512xf32, #tpu.memory_space<hbm>>, %arg3: memref<6144xi32, #tpu.memory_space<hbm>>, %arg4: memref<9216x512xf32, #tpu.memory_space<hbm>>, %arg5: memref<192xi32, #tpu.memory_space<vmem>>, %arg6: memref<96x512xf32, #tpu.memory_space<vmem>>, %arg7: memref<96x512xf32, #tpu.memory_space<vmem>>, %arg8: memref<!tpu.dma_semaphore, #tpu.memory_space<semaphore_mem>>, %arg9: memref<!tpu.dma_semaphore, #tpu.memory_space<semaphore_mem>>, %arg10: memref<!tpu.dma_semaphore, #tpu.memory_space<semaphore_mem>>, %arg11: memref<!tpu.dma_semaphore, #tpu.memory_space<semaphore_mem>>) attributes {dimension_semantics = [#tpu.dimension_semantics<core_parallel>, #tpu.dimension_semantics<subcore_parallel>], iteration_bounds = array<i64: 2, 16>, scalar_prefetch = 0 : i64, scratch_operands = 7 : i64, tpu.core_type = #tpu.core_type<sc_vector_subcore>, window_params = [{transform_indices = #map}, {transform_indices = #map1}, {transform_indices = #map}]} {
    %mul3A = arith.constant 2 : i32
    %mul3A_0 = arith.muli %arg1, %mul3A : i32
    %add3A = arith.addi %mul3A_0, %arg0 : i32
    %mul3A_1 = arith.constant 192 : i32
    %mul3A_2 = arith.muli %add3A, %mul3A_1 : i32
    "tpu.region"() ({
      %run_scoped3A = tpu.sem_alloc : memref<!tpu.dma_semaphore, #tpu.memory_space<semaphore_mem>>
      %dma_start3A_41 = tpu.memref_slice %arg3[%mul3A_2] : memref<6144xi32, #tpu.memory_space<hbm>> -> memref<192xi32, #tpu.memory_space<hbm>>
      %dma_start3A_42 = tpu.memref_slice %arg3[%mul3A_2] : memref<6144xi32, #tpu.memory_space<hbm>> -> memref<192xi32, #tpu.memory_space<hbm>>
      tpu.enqueue_dma source(%dma_start3A_42 : memref<192xi32, #tpu.memory_space<hbm>>) target(%arg5 : memref<192xi32, #tpu.memory_space<vmem>>) target_semaphore(%run_scoped3A : memref<!tpu.dma_semaphore, #tpu.memory_space<semaphore_mem>>)
      %dma_wait3A_43 = tpu.memref_slice %arg3[%mul3A_2] : memref<6144xi32, #tpu.memory_space<hbm>> -> memref<192xi32, #tpu.memory_space<hbm>>
      %dma_wait3A_44 = tpu.memref_slice %arg3[%mul3A_2] : memref<6144xi32, #tpu.memory_space<hbm>> -> memref<192xi32, #tpu.memory_space<hbm>>
      tpu.wait_dma2 semaphore(%run_scoped3A : memref<!tpu.dma_semaphore, #tpu.memory_space<semaphore_mem>>) src(%dma_wait3A_44 : memref<192xi32, #tpu.memory_space<hbm>>) dst(%arg5 : memref<192xi32, #tpu.memory_space<vmem>>)
      tpu.yield
    }) : () -> ()
    %dma_start3A = arith.constant 0 : i32
    %dma_start3A_3 = tpu.memref_slice %arg5[%dma_start3A] : memref<192xi32, #tpu.memory_space<vmem>> -> memref<96xi32, #tpu.memory_space<vmem>>
    %dma_start3A_4 = arith.constant 0 : i32
    %dma_start3A_5 = arith.constant 0 : i32
    %dma_start3A_6 = tpu.memref_slice %arg2[%dma_start3A_4, %dma_start3A_5] : memref<2048x512xf32, #tpu.memory_space<hbm>> -> memref<2048x512xf32, #tpu.memory_space<hbm>>
    tpu.enqueue_indirect_dma source(%dma_start3A_6 : memref<2048x512xf32, #tpu.memory_space<hbm>>) target(%arg6 : memref<96x512xf32, #tpu.memory_space<vmem>>) offsets(%dma_start3A_3 : memref<96xi32, #tpu.memory_space<vmem>>) semaphore(%arg8 : memref<!tpu.dma_semaphore, #tpu.memory_space<semaphore_mem>>)
    %dma_wait3A = arith.constant 0 : i32
    %dma_wait3A_7 = tpu.memref_slice %arg5[%dma_wait3A] : memref<192xi32, #tpu.memory_space<vmem>> -> memref<96xi32, #tpu.memory_space<vmem>>
    %dma_wait3A_8 = arith.constant 0 : i32
    %dma_wait3A_9 = arith.constant 0 : i32
    %dma_wait3A_10 = tpu.memref_slice %arg2[%dma_wait3A_8, %dma_wait3A_9] : memref<2048x512xf32, #tpu.memory_space<hbm>> -> memref<2048x512xf32, #tpu.memory_space<hbm>>
    tpu.wait_indirect_dma semaphore(%arg8 : memref<!tpu.dma_semaphore, #tpu.memory_space<semaphore_mem>>) src(%dma_wait3A_10 : memref<2048x512xf32, #tpu.memory_space<hbm>>) dst(%arg6 : memref<96x512xf32, #tpu.memory_space<vmem>>)
    %dma_start3A_11 = arith.constant 96 : i32
    %dma_start3A_12 = tpu.memref_slice %arg5[%dma_start3A_11] : memref<192xi32, #tpu.memory_space<vmem>> -> memref<96xi32, #tpu.memory_space<vmem>>
    %dma_start3A_13 = arith.constant 0 : i32
    %dma_start3A_14 = arith.constant 0 : i32
    %dma_start3A_15 = tpu.memref_slice %arg2[%dma_start3A_13, %dma_start3A_14] : memref<2048x512xf32, #tpu.memory_space<hbm>> -> memref<2048x512xf32, #tpu.memory_space<hbm>>
    tpu.enqueue_indirect_dma source(%dma_start3A_15 : memref<2048x512xf32, #tpu.memory_space<hbm>>) target(%arg7 : memref<96x512xf32, #tpu.memory_space<vmem>>) offsets(%dma_start3A_12 : memref<96xi32, #tpu.memory_space<vmem>>) semaphore(%arg9 : memref<!tpu.dma_semaphore, #tpu.memory_space<semaphore_mem>>)
    %add3A_16 = arith.constant 0 : i32
    %add3A_17 = arith.addi %mul3A_2, %add3A_16 : i32
    %dma_start3A_18 = arith.constant 0 : i32
    %dma_start3A_19 = tpu.memref_slice %arg4[%add3A_17, %dma_start3A_18] : memref<9216x512xf32, #tpu.memory_space<hbm>> -> memref<96x512xf32, #tpu.memory_space<hbm>>
    %dma_start3A_20 = arith.constant 0 : i32
    %dma_start3A_21 = tpu.memref_slice %arg4[%add3A_17, %dma_start3A_20] : memref<9216x512xf32, #tpu.memory_space<hbm>> -> memref<96x512xf32, #tpu.memory_space<hbm>>
    tpu.enqueue_dma source(%arg6 : memref<96x512xf32, #tpu.memory_space<vmem>>) target(%dma_start3A_21 : memref<96x512xf32, #tpu.memory_space<hbm>>) target_semaphore(%arg10 : memref<!tpu.dma_semaphore, #tpu.memory_space<semaphore_mem>>)
    %dma_wait3A_22 = arith.constant 96 : i32
    %dma_wait3A_23 = tpu.memref_slice %arg5[%dma_wait3A_22] : memref<192xi32, #tpu.memory_space<vmem>> -> memref<96xi32, #tpu.memory_space<vmem>>
    %dma_wait3A_24 = arith.constant 0 : i32
    %dma_wait3A_25 = arith.constant 0 : i32
    %dma_wait3A_26 = tpu.memref_slice %arg2[%dma_wait3A_24, %dma_wait3A_25] : memref<2048x512xf32, #tpu.memory_space<hbm>> -> memref<2048x512xf32, #tpu.memory_space<hbm>>
    tpu.wait_indirect_dma semaphore(%arg9 : memref<!tpu.dma_semaphore, #tpu.memory_space<semaphore_mem>>) src(%dma_wait3A_26 : memref<2048x512xf32, #tpu.memory_space<hbm>>) dst(%arg7 : memref<96x512xf32, #tpu.memory_space<vmem>>)
    %add3A_27 = arith.constant 96 : i32
    %add3A_28 = arith.addi %mul3A_2, %add3A_27 : i32
    %dma_start3A_29 = arith.constant 0 : i32
    %dma_start3A_30 = tpu.memref_slice %arg4[%add3A_28, %dma_start3A_29] : memref<9216x512xf32, #tpu.memory_space<hbm>> -> memref<96x512xf32, #tpu.memory_space<hbm>>
    %dma_start3A_31 = arith.constant 0 : i32
    %dma_start3A_32 = tpu.memref_slice %arg4[%add3A_28, %dma_start3A_31] : memref<9216x512xf32, #tpu.memory_space<hbm>> -> memref<96x512xf32, #tpu.memory_space<hbm>>
    tpu.enqueue_dma source(%arg7 : memref<96x512xf32, #tpu.memory_space<vmem>>) target(%dma_start3A_32 : memref<96x512xf32, #tpu.memory_space<hbm>>) target_semaphore(%arg11 : memref<!tpu.dma_semaphore, #tpu.memory_space<semaphore_mem>>)
    %dma_wait3A_33 = arith.constant 0 : i32
    %dma_wait3A_34 = tpu.memref_slice %arg4[%add3A_17, %dma_wait3A_33] : memref<9216x512xf32, #tpu.memory_space<hbm>> -> memref<96x512xf32, #tpu.memory_space<hbm>>
    %dma_wait3A_35 = arith.constant 0 : i32
    %dma_wait3A_36 = tpu.memref_slice %arg4[%add3A_17, %dma_wait3A_35] : memref<9216x512xf32, #tpu.memory_space<hbm>> -> memref<96x512xf32, #tpu.memory_space<hbm>>
    tpu.wait_dma2 semaphore(%arg10 : memref<!tpu.dma_semaphore, #tpu.memory_space<semaphore_mem>>) src(%arg6 : memref<96x512xf32, #tpu.memory_space<vmem>>) dst(%dma_wait3A_36 : memref<96x512xf32, #tpu.memory_space<hbm>>)
    %dma_wait3A_37 = arith.constant 0 : i32
    %dma_wait3A_38 = tpu.memref_slice %arg4[%add3A_28, %dma_wait3A_37] : memref<9216x512xf32, #tpu.memory_space<hbm>> -> memref<96x512xf32, #tpu.memory_space<hbm>>
    %dma_wait3A_39 = arith.constant 0 : i32
    %dma_wait3A_40 = tpu.memref_slice %arg4[%add3A_28, %dma_wait3A_39] : memref<9216x512xf32, #tpu.memory_space<hbm>> -> memref<96x512xf32, #tpu.memory_space<hbm>>
    tpu.wait_dma2 semaphore(%arg11 : memref<!tpu.dma_semaphore, #tpu.memory_space<semaphore_mem>>) src(%arg7 : memref<96x512xf32, #tpu.memory_space<vmem>>) dst(%dma_wait3A_40 : memref<96x512xf32, #tpu.memory_space<hbm>>)
    return
  }
}

module attributes {stable_mosaic.version = 14 : i64} {
  func.func @_dist_argmin_body(%arg0: i32, %arg1: memref<1024x512xf32, #tpu.memory_space<vmem>>, %arg2: memref<2048x512xf32, #tpu.memory_space<vmem>>, %arg3: memref<1x1024xf32, #tpu.memory_space<vmem>>, %arg4: memref<1x2048xf32, #tpu.memory_space<vmem>>, %arg5: memref<1x1024xi32, #tpu.memory_space<vmem>>, %arg6: memref<1x1xf32, #tpu.memory_space<smem>>) attributes {dimension_semantics = [#tpu.dimension_semantics<arbitrary>], iteration_bounds = array<i64: 3>, scalar_prefetch = 0 : i64, scratch_operands = 0 : i64, tpu.core_type = #tpu.core_type<tc>, window_params = [{transform_indices = @transform_0, window_bounds = array<i64: 1024, 512>}, {pipeline_mode = #tpu.pipeline_mode<synchronous>, transform_indices = @transform_1, window_bounds = array<i64: 2048, 512>}, {transform_indices = @transform_2, window_bounds = array<i64: 1, 1024>}, {pipeline_mode = #tpu.pipeline_mode<synchronous>, transform_indices = @transform_3, window_bounds = array<i64: 1, 2048>}, {transform_indices = @transform_4, window_bounds = array<i64: 1, 1024>}, {transform_indices = @transform_5, window_bounds = array<i64: 1, 1>}]} {
    %get3A = arith.constant 0 : index
    %get3A_0 = arith.constant 0 : index
    %get3A_1 = vector.load %arg1[%get3A, %get3A_0] : memref<1024x512xf32, #tpu.memory_space<vmem>>, vector<1024x512xf32>
    %mul3A = arith.constant 2.000000e+00 : f32
    %mul3A_2 = vector.broadcast %mul3A : f32 to vector<1024x512xf32>
    %mul3A_3 = arith.mulf %mul3A_2, %get3A_1 : vector<1024x512xf32>
    %get3A_4 = arith.constant 0 : index
    %get3A_5 = arith.constant 0 : index
    %get3A_6 = vector.load %arg2[%get3A_4, %get3A_5] : memref<2048x512xf32, #tpu.memory_space<vmem>>, vector<2048x512xf32>
    %dot_general3A = arith.constant dense<0.000000e+00> : vector<1024x2048xf32>
    %dot_general3A_7 = tpu.matmul %mul3A_3, %get3A_6, %dot_general3A {dimension_numbers = #tpu.dot_dimension_numbers<[1], [1], [0], [0], [0, 0, 1, 0], [], []>, transpose_lhs_hint = false} : vector<1024x512xf32>, vector<2048x512xf32>, vector<1024x2048xf32> -> vector<1024x2048xf32>
    %get3A_8 = arith.constant 0 : index
    %get3A_9 = arith.constant 0 : index
    %get3A_10 = vector.load %arg3[%get3A_8, %get3A_9] : memref<1x1024xf32, #tpu.memory_space<vmem>>, vector<1x1024xf32>
    %transpose3A = tpu.transpose %get3A_10, [1, 0] : vector<1x1024xf32> -> vector<1024x1xf32>
    %sub3A = vector.broadcast %transpose3A : vector<1024x1xf32> to vector<1024x2048xf32>
    %sub3A_11 = arith.subf %sub3A, %dot_general3A_7 : vector<1024x2048xf32>
    %get3A_12 = arith.constant 0 : index
    %get3A_13 = arith.constant 0 : index
    %get3A_14 = vector.load %arg4[%get3A_12, %get3A_13] : memref<1x2048xf32, #tpu.memory_space<vmem>>, vector<1x2048xf32>
    %add3A = vector.broadcast %get3A_14 : vector<1x2048xf32> to vector<1024x2048xf32>
    %add3A_15 = arith.addf %sub3A_11, %add3A : vector<1024x2048xf32>
    %reduce_min3A = arith.constant dense<0x7F800000> : vector<1024xf32>
    %reduce_min3A_16 = vector.multi_reduction <minimumf>, %add3A_15, %reduce_min3A [1] : vector<1024x2048xf32> to vector<1024xf32>
    %broadcast_in_dim3A = vector.shape_cast %reduce_min3A_16 : vector<1024xf32> to vector<1024x1xf32>
    %iota3A = tpu.iota {dimensions = array<i32: 1>} : vector<1024x2048xi32>
    %eq3A = vector.broadcast %broadcast_in_dim3A : vector<1024x1xf32> to vector<1024x2048xf32>
    %eq3A_17 = arith.cmpf oeq, %add3A_15, %eq3A : vector<1024x2048xf32>
    %jit3A = arith.constant 2048 : i32
    %broadcast_in_dim3A_18 = vector.broadcast %jit3A : i32 to vector<1024x2048xi32>
    %select_n3A = arith.select %eq3A_17, %iota3A, %broadcast_in_dim3A_18 : vector<1024x2048xi1>, vector<1024x2048xi32>
    %reduce_min3A_19 = arith.constant dense<2147483647> : vector<1024xi32>
    %reduce_min3A_20 = vector.multi_reduction <minsi>, %select_n3A, %reduce_min3A_19 [1] : vector<1024x2048xi32> to vector<1024xi32>
    %broadcast_in_dim3A_21 = vector.shape_cast %reduce_min3A_20 : vector<1024xi32> to vector<1024x1xi32>
    %transpose3A_22 = tpu.transpose %broadcast_in_dim3A_21, [1, 0] : vector<1024x1xi32> -> vector<1x1024xi32>
    %swap3A = arith.constant 0 : index
    %swap3A_23 = arith.constant 0 : index
    %swap3A_24 = vector.load %arg5[%swap3A, %swap3A_23] : memref<1x1024xi32, #tpu.memory_space<vmem>>, vector<1x1024xi32>
    tpu.vector_store %arg5[%swap3A, %swap3A_23], %transpose3A_22 {strides = array<i32>} : memref<1x1024xi32, #tpu.memory_space<vmem>>, vector<1x1024xi32>,
    %eq3A_25 = arith.constant 0 : i32
    %eq3A_26 = arith.cmpi eq, %arg0, %eq3A_25 : i32
    %convert_element_type3A = arith.extui %eq3A_26 : i1 to i32
    %cond3A = arith.constant 0 : i32
    %cond3A_27 = arith.cmpi ne, %convert_element_type3A, %cond3A : i32
    scf.if %cond3A_27 {
      %swap3A_39 = arith.constant 0.000000e+00 : f32
      %swap3A_40 = arith.constant 0 : index
      %swap3A_41 = arith.constant 0 : index
      %swap3A_42 = memref.load %arg6[%swap3A_40, %swap3A_41] : memref<1x1xf32, #tpu.memory_space<smem>>
      memref.store %swap3A_39, %arg6[%swap3A_40, %swap3A_41] : memref<1x1xf32, #tpu.memory_space<smem>>
    } else {
    }
    %get3A_28 = arith.constant 0 : index
    %get3A_29 = arith.constant 0 : index
    %get3A_30 = memref.load %arg6[%get3A_28, %get3A_29] : memref<1x1xf32, #tpu.memory_space<smem>>
    %reduce_sum3A = vector.shape_cast %broadcast_in_dim3A : vector<1024x1xf32> to vector<1x1024x1xf32>
    %reduce_sum3A_31 = arith.constant dense<0.000000e+00> : vector<1xf32>
    %reduce_sum3A_32 = vector.multi_reduction <add>, %reduce_sum3A, %reduce_sum3A_31 [1, 2] : vector<1x1024x1xf32> to vector<1xf32>
    %reduce_sum3A_33 = vector.shape_cast %reduce_sum3A_32 : vector<1xf32> to vector<1x1x1xf32>
    %reduce_sum3A_34 = vector.extract %reduce_sum3A_33[0, 0, 0] : f32 from vector<1x1x1xf32>
    %add3A_35 = arith.addf %get3A_30, %reduce_sum3A_34 : f32
    %swap3A_36 = arith.constant 0 : index
    %swap3A_37 = arith.constant 0 : index
    %swap3A_38 = memref.load %arg6[%swap3A_36, %swap3A_37] : memref<1x1xf32, #tpu.memory_space<smem>>
    memref.store %add3A_35, %arg6[%swap3A_36, %swap3A_37] : memref<1x1xf32, #tpu.memory_space<smem>>
    return
  }
  func.func @transform_0(%arg0: i32) -> (i32, i32) {
    %add3A = arith.constant 6 : i32
    %add3A_0 = arith.addi %arg0, %add3A : i32
    %c0_i32 = arith.constant 0 : i32
    %c0_i32_1 = arith.constant 0 : i32
    return %add3A_0, %c0_i32 : i32, i32
  }
  func.func @transform_1(%arg0: i32) -> (i32, i32) {
    %c0_i32 = arith.constant 0 : i32
    %c0_i32_0 = arith.constant 0 : i32
    %c0_i32_1 = arith.constant 0 : i32
    return %c0_i32, %c0_i32_0 : i32, i32
  }
  func.func @transform_2(%arg0: i32) -> (i32, i32) {
    %add3A = arith.constant 6 : i32
    %add3A_0 = arith.addi %arg0, %add3A : i32
    %c0_i32 = arith.constant 0 : i32
    %c0_i32_1 = arith.constant 0 : i32
    return %c0_i32, %add3A_0 : i32, i32
  }
  func.func @transform_3(%arg0: i32) -> (i32, i32) {
    %c0_i32 = arith.constant 0 : i32
    %c0_i32_0 = arith.constant 0 : i32
    %c0_i32_1 = arith.constant 0 : i32
    return %c0_i32, %c0_i32_0 : i32, i32
  }
  func.func @transform_4(%arg0: i32) -> (i32, i32) {
    %c0_i32 = arith.constant 0 : i32
    %c0_i32_0 = arith.constant 0 : i32
    return %c0_i32, %arg0 : i32, i32
  }
  func.func @transform_5(%arg0: i32) -> (i32, i32) {
    %c0_i32 = arith.constant 0 : i32
    %c0_i32_0 = arith.constant 0 : i32
    %c0_i32_1 = arith.constant 0 : i32
    return %c0_i32, %c0_i32_0 : i32, i32
  }
}

module attributes {stable_mosaic.version = 14 : i64} {
  func.func @_dist_argmin_body(%arg0: i32, %arg1: memref<1024x512xf32, #tpu.memory_space<vmem>>, %arg2: memref<2048x512xf32, #tpu.memory_space<vmem>>, %arg3: memref<1x1024xf32, #tpu.memory_space<vmem>>, %arg4: memref<1x2048xf32, #tpu.memory_space<vmem>>, %arg5: memref<1x1024xi32, #tpu.memory_space<vmem>>, %arg6: memref<1x1xf32, #tpu.memory_space<smem>>) attributes {dimension_semantics = [#tpu.dimension_semantics<arbitrary>], iteration_bounds = array<i64: 6>, scalar_prefetch = 0 : i64, scratch_operands = 0 : i64, tpu.core_type = #tpu.core_type<tc>, window_params = [{transform_indices = @transform_0, window_bounds = array<i64: 1024, 512>}, {pipeline_mode = #tpu.pipeline_mode<synchronous>, transform_indices = @transform_1, window_bounds = array<i64: 2048, 512>}, {transform_indices = @transform_2, window_bounds = array<i64: 1, 1024>}, {pipeline_mode = #tpu.pipeline_mode<synchronous>, transform_indices = @transform_3, window_bounds = array<i64: 1, 2048>}, {transform_indices = @transform_4, window_bounds = array<i64: 1, 1024>}, {transform_indices = @transform_5, window_bounds = array<i64: 1, 1>}]} {
    %get3A = arith.constant 0 : index
    %get3A_0 = arith.constant 0 : index
    %get3A_1 = vector.load %arg1[%get3A, %get3A_0] : memref<1024x512xf32, #tpu.memory_space<vmem>>, vector<1024x512xf32>
    %mul3A = arith.constant 2.000000e+00 : f32
    %mul3A_2 = vector.broadcast %mul3A : f32 to vector<1024x512xf32>
    %mul3A_3 = arith.mulf %mul3A_2, %get3A_1 : vector<1024x512xf32>
    %get3A_4 = arith.constant 0 : index
    %get3A_5 = arith.constant 0 : index
    %get3A_6 = vector.load %arg2[%get3A_4, %get3A_5] : memref<2048x512xf32, #tpu.memory_space<vmem>>, vector<2048x512xf32>
    %dot_general3A = arith.constant dense<0.000000e+00> : vector<1024x2048xf32>
    %dot_general3A_7 = tpu.matmul %mul3A_3, %get3A_6, %dot_general3A {dimension_numbers = #tpu.dot_dimension_numbers<[1], [1], [0], [0], [0, 0, 1, 0], [], []>, transpose_lhs_hint = false} : vector<1024x512xf32>, vector<2048x512xf32>, vector<1024x2048xf32> -> vector<1024x2048xf32>
    %get3A_8 = arith.constant 0 : index
    %get3A_9 = arith.constant 0 : index
    %get3A_10 = vector.load %arg3[%get3A_8, %get3A_9] : memref<1x1024xf32, #tpu.memory_space<vmem>>, vector<1x1024xf32>
    %transpose3A = tpu.transpose %get3A_10, [1, 0] : vector<1x1024xf32> -> vector<1024x1xf32>
    %sub3A = vector.broadcast %transpose3A : vector<1024x1xf32> to vector<1024x2048xf32>
    %sub3A_11 = arith.subf %sub3A, %dot_general3A_7 : vector<1024x2048xf32>
    %get3A_12 = arith.constant 0 : index
    %get3A_13 = arith.constant 0 : index
    %get3A_14 = vector.load %arg4[%get3A_12, %get3A_13] : memref<1x2048xf32, #tpu.memory_space<vmem>>, vector<1x2048xf32>
    %add3A = vector.broadcast %get3A_14 : vector<1x2048xf32> to vector<1024x2048xf32>
    %add3A_15 = arith.addf %sub3A_11, %add3A : vector<1024x2048xf32>
    %reduce_min3A = arith.constant dense<0x7F800000> : vector<1024xf32>
    %reduce_min3A_16 = vector.multi_reduction <minimumf>, %add3A_15, %reduce_min3A [1] : vector<1024x2048xf32> to vector<1024xf32>
    %broadcast_in_dim3A = vector.shape_cast %reduce_min3A_16 : vector<1024xf32> to vector<1024x1xf32>
    %iota3A = tpu.iota {dimensions = array<i32: 1>} : vector<1024x2048xi32>
    %eq3A = vector.broadcast %broadcast_in_dim3A : vector<1024x1xf32> to vector<1024x2048xf32>
    %eq3A_17 = arith.cmpf oeq, %add3A_15, %eq3A : vector<1024x2048xf32>
    %jit3A = arith.constant 2048 : i32
    %broadcast_in_dim3A_18 = vector.broadcast %jit3A : i32 to vector<1024x2048xi32>
    %select_n3A = arith.select %eq3A_17, %iota3A, %broadcast_in_dim3A_18 : vector<1024x2048xi1>, vector<1024x2048xi32>
    %reduce_min3A_19 = arith.constant dense<2147483647> : vector<1024xi32>
    %reduce_min3A_20 = vector.multi_reduction <minsi>, %select_n3A, %reduce_min3A_19 [1] : vector<1024x2048xi32> to vector<1024xi32>
    %broadcast_in_dim3A_21 = vector.shape_cast %reduce_min3A_20 : vector<1024xi32> to vector<1024x1xi32>
    %transpose3A_22 = tpu.transpose %broadcast_in_dim3A_21, [1, 0] : vector<1024x1xi32> -> vector<1x1024xi32>
    %swap3A = arith.constant 0 : index
    %swap3A_23 = arith.constant 0 : index
    %swap3A_24 = vector.load %arg5[%swap3A, %swap3A_23] : memref<1x1024xi32, #tpu.memory_space<vmem>>, vector<1x1024xi32>
    tpu.vector_store %arg5[%swap3A, %swap3A_23], %transpose3A_22 {strides = array<i32>} : memref<1x1024xi32, #tpu.memory_space<vmem>>, vector<1x1024xi32>,
    %eq3A_25 = arith.constant 0 : i32
    %eq3A_26 = arith.cmpi eq, %arg0, %eq3A_25 : i32
    %convert_element_type3A = arith.extui %eq3A_26 : i1 to i32
    %cond3A = arith.constant 0 : i32
    %cond3A_27 = arith.cmpi ne, %convert_element_type3A, %cond3A : i32
    scf.if %cond3A_27 {
      %swap3A_39 = arith.constant 0.000000e+00 : f32
      %swap3A_40 = arith.constant 0 : index
      %swap3A_41 = arith.constant 0 : index
      %swap3A_42 = memref.load %arg6[%swap3A_40, %swap3A_41] : memref<1x1xf32, #tpu.memory_space<smem>>
      memref.store %swap3A_39, %arg6[%swap3A_40, %swap3A_41] : memref<1x1xf32, #tpu.memory_space<smem>>
    } else {
    }
    %get3A_28 = arith.constant 0 : index
    %get3A_29 = arith.constant 0 : index
    %get3A_30 = memref.load %arg6[%get3A_28, %get3A_29] : memref<1x1xf32, #tpu.memory_space<smem>>
    %reduce_sum3A = vector.shape_cast %broadcast_in_dim3A : vector<1024x1xf32> to vector<1x1024x1xf32>
    %reduce_sum3A_31 = arith.constant dense<0.000000e+00> : vector<1xf32>
    %reduce_sum3A_32 = vector.multi_reduction <add>, %reduce_sum3A, %reduce_sum3A_31 [1, 2] : vector<1x1024x1xf32> to vector<1xf32>
    %reduce_sum3A_33 = vector.shape_cast %reduce_sum3A_32 : vector<1xf32> to vector<1x1x1xf32>
    %reduce_sum3A_34 = vector.extract %reduce_sum3A_33[0, 0, 0] : f32 from vector<1x1x1xf32>
    %add3A_35 = arith.addf %get3A_30, %reduce_sum3A_34 : f32
    %swap3A_36 = arith.constant 0 : index
    %swap3A_37 = arith.constant 0 : index
    %swap3A_38 = memref.load %arg6[%swap3A_36, %swap3A_37] : memref<1x1xf32, #tpu.memory_space<smem>>
    memref.store %add3A_35, %arg6[%swap3A_36, %swap3A_37] : memref<1x1xf32, #tpu.memory_space<smem>>
    return
  }
  func.func @transform_0(%arg0: i32) -> (i32, i32) {
    %add3A = arith.constant 0 : i32
    %add3A_0 = arith.addi %arg0, %add3A : i32
    %c0_i32 = arith.constant 0 : i32
    %c0_i32_1 = arith.constant 0 : i32
    return %add3A_0, %c0_i32 : i32, i32
  }
  func.func @transform_1(%arg0: i32) -> (i32, i32) {
    %c0_i32 = arith.constant 0 : i32
    %c0_i32_0 = arith.constant 0 : i32
    %c0_i32_1 = arith.constant 0 : i32
    return %c0_i32, %c0_i32_0 : i32, i32
  }
  func.func @transform_2(%arg0: i32) -> (i32, i32) {
    %add3A = arith.constant 0 : i32
    %add3A_0 = arith.addi %arg0, %add3A : i32
    %c0_i32 = arith.constant 0 : i32
    %c0_i32_1 = arith.constant 0 : i32
    return %c0_i32, %add3A_0 : i32, i32
  }
  func.func @transform_3(%arg0: i32) -> (i32, i32) {
    %c0_i32 = arith.constant 0 : i32
    %c0_i32_0 = arith.constant 0 : i32
    %c0_i32_1 = arith.constant 0 : i32
    return %c0_i32, %c0_i32_0 : i32, i32
  }
  func.func @transform_4(%arg0: i32) -> (i32, i32) {
    %c0_i32 = arith.constant 0 : i32
    %c0_i32_0 = arith.constant 0 : i32
    return %c0_i32, %arg0 : i32, i32
  }
  func.func @transform_5(%arg0: i32) -> (i32, i32) {
    %c0_i32 = arith.constant 0 : i32
    %c0_i32_0 = arith.constant 0 : i32
    %c0_i32_1 = arith.constant 0 : i32
    return %c0_i32, %c0_i32_0 : i32, i32
  }
}

</mosaic_0001>

<sc_bundles>
// kernel: kernel.6.cloned.1.call-start
scs
__scs_entry_jumppad:
0x0: {  	(pc) =	sbr.rel $0x88, $3  }
0x1: {  	(tag) =	ssettag $0x0;
	lr =	simm.s32 $0x1  }
0x2: {  	[smem:$0x3F9F] =	sst lr;
	_ =	strace $0xD0000000  }
0x3: {  	_ = 	snop  }
0x4: {  	_ = 	snop  }
0x5: {  	_ = 	snop  }
0x6: {  	_ = 	snop  }
0x7: {  	_ = 	snop  }
__scs_overlays_trampoline_lowered:
0x8: {  	[smem:$0x3FAE] =	sst s0  }
0x9: {  	[smem:$0x3FAF] =	sst s1  }
0xa: {  	[smem:$0x3FB0] =	sst s2  }
0xb: {  	[smem:$0x3FB1] =	sst s3  }
0xc: {  	[smem:$0x3FB2] =	sst s4  }
0xd: {  	[smem:$0x3FB3] =	sst s5  }
0xe: {  	[smem:$0x3FB4] =	sst s6  }
0xf: {  	[smem:$0x3FB5] =	sst s7  }
0x10: {  	[smem:$0x3FB6] =	sst s8  }
0x11: {  	[smem:$0x3FB7] =	sst s9;
	s0 =	simm.s32 @!p0 $0x0  }
0x12: {  	s1 =	sld [smem:$0x3F9D];
	s0 =	simm.s32 @p0 $0x1  }
0x13: {  	[smem:$0x3FB8] =	sst s0;
	s0 =	simm.s32 @!p1 $0x0  }
0x14: {  	s2 =	sld [smem:$0x3F9C];
	s0 =	simm.s32 @p1 $0x1  }
0x15: {  	[smem:$0x3FB9] =	sst s0;
	s0 =	simm.s32 @!p2 $0x0  }
0x16: {  	s3 =	sld [smem:$0x3FDB];
	s0 =	simm.s32 @p2 $0x1  }
0x17: {  	s4 =	simm.s32 $0x1BF5;
	[smem:$0x3FBB] =	sst s0  }
0x18: {  	s0 =	sld [smem:$0x3F9E];
	_ =	swait.ge [sflag:s4], $0x0  }
0x19: {  	s7 =	sld [smem:$0x3F9F]  }
0x1a: {  	s8 =	sadd.s32 $0xFFFFE003, lr  }
0x1b: {  	s9 =	sadd.s32 $0xFFFFFEF7, lr;
	s5 =	simm.s32 $0xFFFFFFFF;
	p2 =	slt.u32 s8, $0xFFFFF086  }
0x1c: {  	p1 =	slt.u32 s9, $0xF7A;
	s5 =	simm.s32 @!p2 $0x0  }
0x1d: {  	s5 =	simm.s32 @p1 $0x1;
	p0 =	seq.s32 s7, s2  }
0x1e: {  	s7 =	smul.u32 @!p0 $0xF7A, s2;
	p2 =	seq.s32 @!p0 s5, $0x0  }
0x1f: {  	s9 =	smul.u32 $0xF7A, s1;
	s8 =	simm.s32 @!p0 $0x1BF5;
	p2 =	por !p2, p0  }
0x20: {  	[sflag:s8] =	ssyncset.s32 @!p0 $0xFFFFF086;
	s6 =	sadd.s32 @!p0 s3, s7;
	s7 =	simm.s32 @!p0 $0x108  }
0x21: {  	s3 =	sadd.s32 s3, s9;
	s6 =	sadd.s32 @!p0 $0x88, s6;
	s7 =	simm.s32 @p2 $0x1082  }
0x22: {  	[simem:s7], [sflag:s8] =	dma.local @!p0 [hbm:s6], $0xF7A  }
0x23: {  	s9 =	sor.u32 $0xD0000000, s2;
	s6 =	simm.s32 $0x108;
	_ =	swait.ge @!p0 [sflag:s8], $0x0  }
0x24: {  	s3 =	sadd.s32 $0x88, s3;
	s6 =	simm.s32 @!p1 $0x1082;
	[sflag:s4] =	ssyncset.s32 $0xFFFFF086  }
0x25: {  	[simem:s6], [sflag:s4] =	dma.local [hbm:s3], $0xF7A  }
0x26: {  	[smem:$0x3F9F] =	sst s1;
	(tag) =	ssettag s2;
	_ =	strace s9  }
0x27: {  	s1 =	sld [smem:$0x3FAF]  }
0x28: {  	s2 =	sld [smem:$0x3FB0]  }
0x29: {  	s4 =	sld [smem:$0x3FB2]  }
0x2a: {  	p0 =	seq.s32 s5, $0x0;
	s5 =	sld [smem:$0x3FB3]  }
0x2b: {  	s6 =	sld [smem:$0x3FB4]  }
0x2c: {  	s7 =	sld [smem:$0x3FB5]  }
0x2d: {  	s3 =	simm.s32 $0x108;
	s8 =	sld [smem:$0x3FB6]  }
0x2e: {  	s3 =	simm.s32 @!p0 $0x1082;
	s9 =	sld [smem:$0x3FB7]  }
0x2f: {  	lr =	sadd.s32 s0, s3;
	s0 =	sld [smem:$0x3FAE]  }
0x30: {  	s3 =	sld [smem:$0x3FB1]  }
0x31: {  	[smem:$0x3FBA] =	sst s10  }
0x32: {  	s10 =	sld [smem:$0x3FB8];
	_ =	sdelay $0x3  }
0x33: {  	p0 =	seq.s32 s10, $0x1;
	s10 =	sld [smem:$0x3FBA];
	_ =	sdelay $0x3  }
0x34: {  	[smem:$0x3FBA] =	sst s10  }
0x35: {  	s10 =	sld [smem:$0x3FB9];
	_ =	sdelay $0x3  }
0x36: {  	p1 =	seq.s32 s10, $0x1;
	s10 =	sld [smem:$0x3FBA];
	_ =	sdelay $0x3  }
0x37: {  	[smem:$0x3FBA] =	sst s10  }
0x38: {  	s10 =	sld [smem:$0x3FBB]  }
0x39: {  	_ = 	snop;
	(pc) =	sbr.ind lr, $3  }
0x3a: {  	_ = 	snop  }
0x3b: {  	_ = 	snop  }
0x3c: {  	p2 =	seq.s32 s10, $0x1;
	s10 =	sld [smem:$0x3FBA]  }
0x3d: {  	_ =	shalt  }
0x3e: {  	_ =	shalt  }
0x3f: {  	_ =	shalt  }
0x40: {  	_ =	shalt  }
0x41: {  	_ =	shalt  }
0x42: {  	_ =	shalt  }
0x43: {  	_ =	shalt  }
0x44: {  	_ =	shalt  }
0x45: {  	_ =	shalt  }
0x46: {  	_ =	shalt  }
0x47: {  	_ =	shalt  }
0x48: {  	_ =	shalt  }
0x49: {  	_ =	shalt  }
0x4a: {  	_ =	shalt  }
0x4b: {  	_ =	shalt  }
0x4c: {  	_ =	shalt  }
0x4d: {  	_ =	shalt  }
0x4e: {  	_ =	shalt  }
0x4f: {  	_ =	shalt  }
0x50: {  	_ =	shalt  }
0x51: {  	_ =	shalt  }
0x52: {  	_ =	shalt  }
0x53: {  	_ =	shalt  }
0x54: {  	_ =	shalt  }
0x55: {  	_ =	shalt  }
0x56: {  	_ =	shalt  }
0x57: {  	_ =	shalt  }
0x58: {  	_ =	shalt  }
0x59: {  	_ =	shalt  }
0x5a: {  	_ =	shalt  }
0x5b: {  	_ =	shalt  }
0x5c: {  	_ =	shalt  }
0x5d: {  	_ =	shalt  }
0x5e: {  	_ =	shalt  }
0x5f: {  	_ =	shalt  }
0x60: {  	_ =	shalt  }
0x61: {  	_ =	shalt  }
0x62: {  	_ =	shalt  }
0x63: {  	_ =	shalt  }
0x64: {  	_ =	shalt  }
0x65: {  	_ =	shalt  }
0x66: {  	_ =	shalt  }
0x67: {  	_ =	shalt  }
0x68: {  	_ =	shalt  }
0x69: {  	_ =	shalt  }
0x6a: {  	_ =	shalt  }
0x6b: {  	_ =	shalt  }
0x6c: {  	_ =	shalt  }
0x6d: {  	_ =	shalt  }
0x6e: {  	_ =	shalt  }
0x6f: {  	_ =	shalt  }
0x70: {  	_ =	shalt  }
0x71: {  	_ =	shalt  }
0x72: {  	_ =	shalt  }
0x73: {  	_ =	shalt  }
0x74: {  	_ =	shalt  }
0x75: {  	_ =	shalt  }
0x76: {  	_ =	shalt  }
0x77: {  	_ =	shalt  }
0x78: {  	_ =	shalt  }
0x79: {  	_ =	shalt  }
0x7a: {  	_ =	shalt  }
0x7b: {  	_ =	shalt  }
0x7c: {  	_ =	shalt  }
0x7d: {  	_ =	shalt  }
0x7e: {  	_ =	shalt  }
0x7f: {  	_ =	shalt  }
0x80: {  	_ =	shalt  }
0x81: {  	_ =	shalt  }
0x82: {  	_ =	shalt  }
0x83: {  	_ =	shalt  }
0x84: {  	_ =	shalt  }
0x85: {  	_ =	shalt  }
0x86: {  	_ =	shalt  }
0x87: {  	_ =	shalt  }
.Lfunc_end0:
.L_simem_size_0:
called_computation_lowered:
.L_overlay_start_0:
0x88: {  	s2 =	sld [smem:$0x3FD9]  }
0x89: {  	s3 =	sld [smem:$0x3FFE];
	_ =	sdelay $0x1  }
0x8a: {  	s1 =	srdreg.scid  }
0x8b: {  	s0 =	sand.u32 $0x1, s1  }
0x8c: {  	s15 =	sshll.u32 s0, $0xA;
	s2 =	sadd.s32 s3, s2  }
0x8d: {  	s2 =	sadd.s32 s2, s15  }
0x8e: {  	[smem:$0x3FC6] =	sst s2  }
0x8f: {  	_ = 	snop  }
0x90: {  	s16 =	sld [smem:$0x3FD0];
	_ =	sdelay $0x2  }
0x91: {  	s4 =	simm.s32 $0xB;
	s5 =	simm.s32 $0x10;
	s2 =	sld [smem:$0x3FC8]  }
0x92: {  	[smem:s5], [sflag:s4] =	dma.local [hbm:s16], $0x1  }
0x93: {  	_ =	swait.eq [sflag:s4], $0x1  }
0x94: {  	[sflag:s4] =	ssyncset.done $0x0  }
0x95: {  	[sflag:s4] =	ssyncadd.s32 $0xFFFFFFFF  }
0x96: {  	s17 =	sld [smem:$0x10];
	(tm) =	ssettm $0x1  }
0x97: {  	s18 =	sld [smem:$0x3FFB];
	_ =	sdelay $0x3  }
0x98: {  	_ =	strace s18  }
0x99: {  	s3 =	sld [smem:$0x3FFC];
	_ =	sdelay $0x3  }
0x9a: {  	_ =	strace s3  }
0x9b: {  	s3 =	sld [smem:$0x3FFD];
	_ =	sdelay $0x3  }
0x9c: {  	_ =	strace s3  }
0x9d: {  	_ =	strace $0x8FFFFFFF  }
0x9e: {  	s19 =	sld [smem:$0x3FDB];
	_ =	sdelay $0x1  }
0x9f: {  	s20 =	simm.s32 $_scs_section_size  }
0xa0: {  	s6 =	simm.s32 $_size__tile_overlayer_lowered;
	s7 =	simm.s32 $_tile_overlayer_lowered  }
0xa1: {  	s8 =	simm.s32 $0x1BFF;
	s21 =	sshll.u32 s7, $0x1;
	s5 =	sadd.s32 s20, s19  }
0xa2: {  	s22 =	simm.s32 $0x0;
	s6 =	sshll.u32 s6, $0x1;
	s7 =	sadd.s32 s21, s5  }
0xa3: {  	[timem:s22], [sflag:s8] =	dma.local [hbm:s7], s6  }
0xa4: {  	_ =	swait.ge [sflag:s8], s6  }
0xa5: {  	s6 =	ssub.s32 $0x0, s6;
	[sflag:s8] =	ssyncset.done $0x0  }
0xa6: {  	[sflag:s8] =	ssyncadd.s32 s6;
	_ =	sdelay $0x1  }
0xa7: {  	s23 =	simm.s32 $0x1B8B  }
0xa8: {  	_ =	swait.ge [sflag:s23], $0x1  }
0xa9: {  	[sflag:s23] =	ssyncset.done $0x0  }
0xaa: {  	[sflag:s23] =	ssyncadd.s32 $0xFFFFFFFF  }
0xab: {  	s6 =	sld [smem:$0x0]  }
0xac: {  	s7 =	sand.u32 $0xFFFFFFFE, s1  }
0xad: {  	p0 =	sne.s32 s1, s7  }
0xae: {  	s7 =	sshll.u32 @p0 s7, $0xE  }
0xaf: {  	s7 =	sadd.s32 @p0 $0x11B8D, s7;
	s8 =	sshll.u32 @p0 s6, $0x11  }
0xb0: {  	s7 =	sor.u32 @p0 s8, s7  }
0xb1: {  	[sflag:s7] =	ssyncadd.remote.s32 @p0 $0x1;
	_ =	sdelay $0x1  }
0xb2: {  	s7 =	simm.s32 @p0 $0x1B8D  }
0xb3: {  	_ =	swait.eq @p0 [sflag:s7], $0x1  }
0xb4: {  	[sflag:s7] =	ssyncadd.s32 @p0 $0xFFFFFFFF  }
0xb5: {  	s8 =	sshll.u32 @!p0 s1, $0xE  }
0xb6: {  	s8 =	sor.u32 @!p0 $0x4000, s8;
	s7 =	simm.s32 @!p0 $0x1B8D  }
0xb7: {  	s6 =	sshll.u32 @!p0 s6, $0x11;
	s8 =	sadd.s32 @!p0 $0x11B8D, s8;
	_ =	swait.eq @!p0 [sflag:s7], $0x1  }
0xb8: {  	s6 =	sor.u32 @!p0 s6, s8;
	[sflag:s7] =	ssyncadd.s32 @!p0 $0xFFFFFFFF  }
0xb9: {  	s25 =	simm.s32 $0x1B8E;
	s24 =	sld [smem:$0x3FFE];
	[sflag:s6] =	ssyncadd.remote.s32 @!p0 $0x1  }
0xba: {  	s26 =	simm.s32 $execute0_lowered;
	[smem:$0x3FD2] =	sst s25  }
0xbb: {  	s7 =	sshll.u32 s26, $0x1;
	_ =	strace $0x80000049;
	[dreg:$0x1] =	wrdreg $0xFFFFFFFF  }
0xbc: {  	s28 =	simm.s32 $_size_execute0_lowered;
	s5 =	sadd.s32 s5, s7;
	[dreg:$0x0] =	wrdreg $0x0  }
0xbd: {  	s7 =	sshll.u32 s28, $0x1;
	[dreg:$0x2] =	wrdreg s5  }
0xbe: {  	[dreg:$0x3] =	wrdreg s7  }
0xbf: {  	[dreg:$0x4] =	wrdreg $0xC0  }
0xc0: {  	_ =	task [dreg:s22], $0x5FFFF  }
0xc1: {  	[dreg:$0x1] =	wrdreg $0xFFFFFFFF  }
0xc2: {  	[dreg:$0x0] =	wrdreg $0x60  }
0xc3: {  	[dreg:$0x2] =	wrdreg s2  }
0xc4: {  	[dreg:$0x3] =	wrdreg s24  }
0xc5: {  	[dreg:$0x4] =	wrdreg s17  }
0xc6: {  	[dreg:$0x5] =	wrdreg $0x9  }
0xc7: {  	_ =	task.clear_ibuf [dreg:s22], $0x6FFFF;
	_ =	strace $0x90000049  }
0xc8: {  	s29 =	simm.s32 $0x9;
	_ =	strace $0x8000004B  }
0xc9: {  	_ =	swait.ge [sflag:s29], $0x1  }
0xca: {  	[sflag:s29] =	ssyncadd.s32 $0xFFFFFFFF  }
0xcb: {  	_ =	strace $0x9000004B  }
0xcc: {  	_ =	sfence  }
0xcd: {  	s30 =	sld [smem:$0x0];
	_ =	sdelay $0x2  }
0xce: {  	s31 =	sshll.u32 s1, $0xD;
	s1 =	sshrl.u32 s1, $0x2  }
0xcf: {  	s4 =	sand.u32 $0x4000, s31;
	s1 =	sadd.s32 s1, s30  }
0xd0: {  	s0 =	sor.u32 s4, s0;
	s1 =	sshll.u32 s1, $0x11  }
0xd1: {  	s0 =	sor.u32 s1, s0  }
0xd2: {  	s0 =	sadd.s32 $0x8F2B, s0  }
0xd3: {  	[sflag:s0] =	ssyncadd.remote.s32 $0x1  }
0xd4: {  	_ =	sfence.sel $0xFFFF  }
0xd5: {  	[dreg:$0x0] =	wrdreg $0xFFFFFFFF;
	(pc) =	sbr.abs _section_cstart, $3  }
0xd6: {  	[dreg:$0x1] =	wrdreg $0xFFFFFFFF  }
0xd7: {  	_ =	task.clear_ibuf [dreg:s22], $0x2FFFF;
	_ =	strace $0x9FFFFFFF  }
0xd8: {  	(tm) =	ssettm $0x7FFFFFFF  }
0xd9: {  	_ =	shalt  }
tec
execute0_lowered:
.L_overlay_start_1:
0x0: {  	(tag) =	ssettag $0x1  }
0x1: {  	s2 =	srdreg.scid  }
0x2: {  	s0 =	stileid.u32;
	s1 =	rddreg [dreg:$0x0]  }
0x3: {  	s4 =	rddreg [dreg:$0x1];
	s2 =	sand.u32 $0x1, s2;
	s3 =	sshll.u32 s0, $0x1  }
0x4: {  	s6 =	rddreg [dreg:$0x2];
	s5 =	sor.u32 s2, s3;
	s3 =	simm.s32 $0x0  }
0x5: {  	s22 =	simm.s32 $0x900;
	[smem:$0x7FF] =	sst s3  }
0x6: {  	s23 =	simm.s32 $0x1100;
	_ =	strace $0x8000004A;
	[dreg:$0x7] =	wrdreg s22  }
0x7: {  	s24 =	simm.s32 $0x1900;
	[dreg:$0x8] =	wrdreg s23  }
0x8: {  	s25 =	simm.s32 $0x2100;
	[dreg:$0x9] =	wrdreg s24  }
0x9: {  	s26 =	simm.s32 $0x2900;
	[dreg:$0xa] =	wrdreg s25  }
0xa: {  	s0 =	simm.s32 $0x3100;
	[dreg:$0xb] =	wrdreg s26  }
0xb: {  	s9 =	simm.s32 $0x5900;
	[dreg:$0xc] =	wrdreg s0  }
0xc: {  	s10 =	simm.s32 $0x6100;
	[dreg:$0x11] =	wrdreg s9  }
0xd: {  	s11 =	simm.s32 $0x6900;
	s12 =	simm.s32 $0x7100;
	[dreg:$0x12] =	wrdreg s10  }
0xe: {  	s13 =	simm.s32 $0x7900;
	s14 =	simm.s32 $0x8100;
	[dreg:$0x13] =	wrdreg s11  }
0xf: {  	s15 =	simm.s32 $0x8900;
	s16 =	simm.s32 $0x9100;
	[dreg:$0x14] =	wrdreg s12  }
0x10: {  	s17 =	simm.s32 $0x9900;
	s28 =	simm.s32 $0x17100;
	[dreg:$0x15] =	wrdreg s13  }
0x11: {  	s29 =	simm.s32 $0x17900;
	s30 =	simm.s32 $0x2;
	[dreg:$0x16] =	wrdreg s14  }
0x12: {  	s31 =	simm.s32 $0x3;
	s7 =	smul.u32 $0x18, s5;
	[dreg:$0x17] =	wrdreg s15  }
0x13: {  	s2 =	ssub.s32 $0x2, s2;
	s8 =	smul.u32 $0x18000, s5;
	[dreg:$0x18] =	wrdreg s16  }
0x14: {  	s5 =	smul.u32 $0x3000, s5;
	[dreg:$0x19] =	wrdreg s17;
	s22 =	simm.s32 $0xB900  }
0x15: {  	s23 =	simm.s32 $0xC900;
	s24 =	simm.s32 $0xD100;
	s25 =	simm.s32 $0xD900  }
0x16: {  	s26 =	simm.s32 $0xE100;
	s9 =	simm.s32 $0xC100;
	s11 =	simm.s32 $0xF100  }
0x17: {  	s12 =	simm.s32 $0xF900;
	s13 =	simm.s32 $0x10100;
	s14 =	simm.s32 $0x10900  }
0x18: {  	s15 =	simm.s32 $0x11100;
	s16 =	simm.s32 $0x11900;
	[dreg:$0x1d] =	wrdreg s22  }
0x19: {  	s17 =	simm.s32 $0x12100;
	s4 =	sadd.s32 s7, s4;
	[dreg:$0x1e] =	wrdreg s23  }
0x1a: {  	s18 =	sshrl.u32 s8, $0x3;
	s19 =	sadd.s32 s6, s5;
	[dreg:$0x1f] =	wrdreg s24  }
0x1b: {  	s5 =	simm.s32 $0x3900;
	s7 =	simm.s32 $0x4900;
	[smem:$0x7FC] =	sst s25  }
0x1c: {  	s8 =	simm.s32 $0x5100;
	[smem:$0x7FD] =	sst s26;
	s22 =	simm.s32 $0x14900  }
0x1d: {  	s23 =	simm.s32 $0x15100;
	s24 =	simm.s32 $0x15900;
	[dreg:$0x5] =	wrdreg s19  }
0x1e: {  	s25 =	simm.s32 $0x16100;
	s26 =	simm.s32 $0x16900;
	[dreg:$0xd] =	wrdreg s5  }
0x1f: {  	s4 =	sadd.s32 $0x31000, s4;
	s20 =	sadd.s32 s6, s18;
	[dreg:$0xf] =	wrdreg s7  }
0x20: {  	s6 =	simm.s32 $0x4100;
	[dreg:$0x10] =	wrdreg s8;
	s18 =	simm.s32 $0xA100  }
0x21: {  	s19 =	sshrl.u32 s2, $0x1;
	s7 =	simm.s32 $0x100;
	[dreg:$0x4] =	wrdreg s4  }
0x22: {  	s8 =	simm.s32 $0x1;
	s21 =	sadd.s32 $0x1800, s20;
	[dreg:$0xe] =	wrdreg s6  }
0x23: {  	[dreg:$0x1a] =	wrdreg s18;
	s20 =	simm.s32 $0xA900;
	s2 =	ssub.s32 s2, s19  }
0x24: {  	s4 =	sadd.s32 $0x100, s1;
	s6 =	simm.s32 $0x5;
	[dreg:$0x6] =	wrdreg s21  }
0x25: {  	v2 =	vlaneseq.u32;
	s18 =	simm.s32 $0x12900;
	s19 =	simm.s32 $0x13100;
	[dreg:$0x1b] =	wrdreg s20  }
0x26: {  	vm0 =	vmmov $0xffff;
	v1 =	vshrl.u32 v2, $0x3;
	s21 =	simm.s32 $0xB100;
	s5 =	smax.u32 s2, $0x1;
	s20 =	simm.s32 $0x13900  }
0x27: {  	v0 =	vand.u32 $0x7, v2;
	v2 =	vor.u32 $0x8, v2;
	v1 =	vmul.u32 $0x8, v1;
	s2 =	simm.s32 $0x4;
	[dreg:$0x1c] =	wrdreg s21;
	s21 =	simm.s32 $0x14100  }
.LBB2_1:
0x28: {  	s0 =	rddreg [dreg:$0x4]  }
0x29: {  	[tilespmem:s3], [sflag:$0x5] =	stream.linear.gather [hbm4b:s0+s3], $0xC0, $0x38;
	[tilespmem:$0x18100] =	vst v63  }
0x2a: {  	_ =	swait.ge [sflag:s6], $0xC0  }
0x2b: {  	[sflag:s6] =	ssyncset.done $0x0  }
0x2c: {  	[sflag:s6] =	ssyncadd.s32 $0xFFFFFF40  }
0x2d: {  	v3 =	vld [tilespmem:$0x0];
	_ =	sdelay $0x4  }
0x2e: {  	v4 =	vshll.u32 v3, $0x2  }
0x2f: {  	v3 =	vand.u32 $0x7, v3;
	v4 =	vand.u32 $0xFFFFFFE0, v4  }
0x30: {  	v3 =	vor.u32 v3, v4  }
0x31: {  	v4 =	vperm.xlane v3, v0;
	_ =	sdelay $0x1  }
0x32: {  	v4 =	vadd.s32 v1, v4;
	_ =	sdelay $0x1  }
0x33: {  	v3 =	vperm.xlane v3, v2;
	_ =	sdelay $0x1  }
0x34: {  	v3 =	vadd.s32 v1, v3  }
0x35: {  	[tilespmem:s7], [sflag:$0x1] =	stream.indirect_vreg.gather [hbm4b:s1+s3], $0x80, v4, vm0, $0xb8;
	[tilespmem:$0x18100] =	vst v63  }
0x36: {  	s0 =	rddreg [dreg:$0x7]  }
0x37: {  	[tilespmem:s0], [sflag:$0x1] =	stream.indirect_vreg.gather [hbm4b:s4+s3], $0x80, v4, vm0, $0xb8;
	[tilespmem:$0x18100] =	vst v63  }
0x38: {  	s10 =	rddreg [dreg:$0x8]  }
0x39: {  	[tilespmem:s10], [sflag:$0x1] =	stream.indirect_vreg.gather [hbm4b:s1+s3], $0x80, v3, vm0, $0xb8;
	[tilespmem:$0x18100] =	vst v63  }
0x3a: {  	s0 =	rddreg [dreg:$0x9]  }
0x3b: {  	[tilespmem:s0], [sflag:$0x1] =	stream.indirect_vreg.gather [hbm4b:s4+s3], $0x80, v3, vm0, $0xb8;
	[tilespmem:$0x18100] =	vst v63  }
0x3c: {  	v3 =	vld [tilespmem:$0x10];
	_ =	sdelay $0x4  }
0x3d: {  	v53 =	vshll.u32 v3, $0x2  }
0x3e: {  	v3 =	vand.u32 $0x7, v3;
	v4 =	vand.u32 $0xFFFFFFE0, v53  }
0x3f: {  	v3 =	vor.u32 v3, v4  }
0x40: {  	v4 =	vperm.xlane v3, v0;
	_ =	sdelay $0x1  }
0x41: {  	v4 =	vadd.s32 v1, v4;
	_ =	sdelay $0x1  }
0x42: {  	v3 =	vperm.xlane v3, v2;
	_ =	sdelay $0x1  }
0x43: {  	s0 =	rddreg [dreg:$0xa];
	v3 =	vadd.s32 v1, v3  }
0x44: {  	[tilespmem:s0], [sflag:$0x1] =	stream.indirect_vreg.gather [hbm4b:s1+s3], $0x80, v4, vm0, $0xb8;
	[tilespmem:$0x18100] =	vst v63  }
0x45: {  	s10 =	rddreg [dreg:$0xb]  }
0x46: {  	[tilespmem:s10], [sflag:$0x1] =	stream.indirect_vreg.gather [hbm4b:s4+s3], $0x80, v4, vm0, $0xb8;
	[tilespmem:$0x18100] =	vst v63  }
0x47: {  	s0 =	rddreg [dreg:$0xc]  }
0x48: {  	[tilespmem:s0], [sflag:$0x1] =	stream.indirect_vreg.gather [hbm4b:s1+s3], $0x80, v3, vm0, $0xb8;
	[tilespmem:$0x18100] =	vst v63  }
0x49: {  	s10 =	rddreg [dreg:$0xd]  }
0x4a: {  	[tilespmem:s10], [sflag:$0x1] =	stream.indirect_vreg.gather [hbm4b:s4+s3], $0x80, v3, vm0, $0xb8;
	[tilespmem:$0x18100] =	vst v63  }
0x4b: {  	v3 =	vld [tilespmem:$0x20];
	_ =	sdelay $0x4  }
0x4c: {  	v54 =	vshll.u32 v3, $0x2  }
0x4d: {  	v3 =	vand.u32 $0x7, v3;
	v4 =	vand.u32 $0xFFFFFFE0, v54  }
0x4e: {  	v3 =	vor.u32 v3, v4  }
0x4f: {  	v4 =	vperm.xlane v3, v0;
	_ =	sdelay $0x1  }
0x50: {  	v4 =	vadd.s32 v1, v4;
	_ =	sdelay $0x1  }
0x51: {  	v3 =	vperm.xlane v3, v2;
	_ =	sdelay $0x1  }
0x52: {  	s0 =	rddreg [dreg:$0xe];
	v3 =	vadd.s32 v1, v3  }
0x53: {  	[tilespmem:s0], [sflag:$0x1] =	stream.indirect_vreg.gather [hbm4b:s1+s3], $0x80, v4, vm0, $0xb8;
	[tilespmem:$0x18100] =	vst v63  }
0x54: {  	s10 =	rddreg [dreg:$0xf]  }
0x55: {  	[tilespmem:s10], [sflag:$0x1] =	stream.indirect_vreg.gather [hbm4b:s4+s3], $0x80, v4, vm0, $0xb8;
	[tilespmem:$0x18100] =	vst v63  }
0x56: {  	s0 =	rddreg [dreg:$0x10]  }
0x57: {  	[tilespmem:s0], [sflag:$0x1] =	stream.indirect_vreg.gather [hbm4b:s1+s3], $0x80, v3, vm0, $0xb8;
	[tilespmem:$0x18100] =	vst v63  }
0x58: {  	s10 =	rddreg [dreg:$0x11]  }
0x59: {  	[tilespmem:s10], [sflag:$0x1] =	stream.indirect_vreg.gather [hbm4b:s4+s3], $0x80, v3, vm0, $0xb8;
	[tilespmem:$0x18100] =	vst v63  }
0x5a: {  	v3 =	vld [tilespmem:$0x30];
	_ =	sdelay $0x4  }
0x5b: {  	v55 =	vshll.u32 v3, $0x2  }
0x5c: {  	v3 =	vand.u32 $0x7, v3;
	v4 =	vand.u32 $0xFFFFFFE0, v55  }
0x5d: {  	v3 =	vor.u32 v3, v4  }
0x5e: {  	v4 =	vperm.xlane v3, v0;
	_ =	sdelay $0x1  }
0x5f: {  	v4 =	vadd.s32 v1, v4;
	_ =	sdelay $0x1  }
0x60: {  	v3 =	vperm.xlane v3, v2;
	_ =	sdelay $0x1  }
0x61: {  	s0 =	rddreg [dreg:$0x12];
	v3 =	vadd.s32 v1, v3  }
0x62: {  	[tilespmem:s0], [sflag:$0x1] =	stream.indirect_vreg.gather [hbm4b:s1+s3], $0x80, v4, vm0, $0xb8;
	[tilespmem:$0x18100] =	vst v63  }
0x63: {  	s10 =	rddreg [dreg:$0x13]  }
0x64: {  	[tilespmem:s10], [sflag:$0x1] =	stream.indirect_vreg.gather [hbm4b:s4+s3], $0x80, v4, vm0, $0xb8;
	[tilespmem:$0x18100] =	vst v63  }
0x65: {  	s0 =	rddreg [dreg:$0x14]  }
0x66: {  	[tilespmem:s0], [sflag:$0x1] =	stream.indirect_vreg.gather [hbm4b:s1+s3], $0x80, v3, vm0, $0xb8;
	[tilespmem:$0x18100] =	vst v63  }
0x67: {  	s10 =	rddreg [dreg:$0x15]  }
0x68: {  	[tilespmem:s10], [sflag:$0x1] =	stream.indirect_vreg.gather [hbm4b:s4+s3], $0x80, v3, vm0, $0xb8;
	[tilespmem:$0x18100] =	vst v63  }
0x69: {  	v3 =	vld [tilespmem:$0x40];
	_ =	sdelay $0x4  }
0x6a: {  	v56 =	vshll.u32 v3, $0x2  }
0x6b: {  	v3 =	vand.u32 $0x7, v3;
	v4 =	vand.u32 $0xFFFFFFE0, v56  }
0x6c: {  	v3 =	vor.u32 v3, v4  }
0x6d: {  	v4 =	vperm.xlane v3, v0;
	_ =	sdelay $0x1  }
0x6e: {  	v4 =	vadd.s32 v1, v4;
	_ =	sdelay $0x1  }
0x6f: {  	v3 =	vperm.xlane v3, v2;
	_ =	sdelay $0x1  }
0x70: {  	s0 =	rddreg [dreg:$0x16];
	v3 =	vadd.s32 v1, v3  }
0x71: {  	[tilespmem:s0], [sflag:$0x1] =	stream.indirect_vreg.gather [hbm4b:s1+s3], $0x80, v4, vm0, $0xb8;
	[tilespmem:$0x18100] =	vst v63  }
0x72: {  	s10 =	rddreg [dreg:$0x17]  }
0x73: {  	[tilespmem:s10], [sflag:$0x1] =	stream.indirect_vreg.gather [hbm4b:s4+s3], $0x80, v4, vm0, $0xb8;
	[tilespmem:$0x18100] =	vst v63  }
0x74: {  	s0 =	rddreg [dreg:$0x18]  }
0x75: {  	[tilespmem:s0], [sflag:$0x1] =	stream.indirect_vreg.gather [hbm4b:s1+s3], $0x80, v3, vm0, $0xb8;
	[tilespmem:$0x18100] =	vst v63  }
0x76: {  	s10 =	rddreg [dreg:$0x19]  }
0x77: {  	[tilespmem:s10], [sflag:$0x1] =	stream.indirect_vreg.gather [hbm4b:s4+s3], $0x80, v3, vm0, $0xb8;
	[tilespmem:$0x18100] =	vst v63  }
0x78: {  	v3 =	vld [tilespmem:$0x50];
	_ =	sdelay $0x4  }
0x79: {  	v57 =	vshll.u32 v3, $0x2  }
0x7a: {  	v3 =	vand.u32 $0x7, v3;
	v4 =	vand.u32 $0xFFFFFFE0, v57  }
0x7b: {  	v3 =	vor.u32 v3, v4  }
0x7c: {  	v4 =	vperm.xlane v3, v0;
	_ =	sdelay $0x1  }
0x7d: {  	v4 =	vadd.s32 v1, v4;
	_ =	sdelay $0x1  }
0x7e: {  	v3 =	vperm.xlane v3, v2;
	_ =	sdelay $0x1  }
0x7f: {  	s0 =	rddreg [dreg:$0x1a];
	v3 =	vadd.s32 v1, v3  }
0x80: {  	[tilespmem:s0], [sflag:$0x1] =	stream.indirect_vreg.gather [hbm4b:s1+s3], $0x80, v4, vm0, $0xb8;
	[tilespmem:$0x18100] =	vst v63  }
0x81: {  	s10 =	rddreg [dreg:$0x1b]  }
0x82: {  	[tilespmem:s10], [sflag:$0x1] =	stream.indirect_vreg.gather [hbm4b:s4+s3], $0x80, v4, vm0, $0xb8;
	[tilespmem:$0x18100] =	vst v63  }
0x83: {  	s0 =	rddreg [dreg:$0x1c]  }
0x84: {  	[tilespmem:s0], [sflag:$0x1] =	stream.indirect_vreg.gather [hbm4b:s1+s3], $0x80, v3, vm0, $0xb8;
	[tilespmem:$0x18100] =	vst v63  }
0x85: {  	s10 =	rddreg [dreg:$0x1d]  }
0x86: {  	[tilespmem:s10], [sflag:$0x1] =	stream.indirect_vreg.gather [hbm4b:s4+s3], $0x80, v3, vm0, $0xb8;
	[tilespmem:$0x18100] =	vst v63  }
0x87: {  	_ =	swait.ge [sflag:s8], $0xC000  }
0x88: {  	[sflag:s8] =	ssyncset.done $0x0  }
0x89: {  	[sflag:s8] =	ssyncadd.s32 $0xFFFF4000  }
0x8a: {  	v3 =	vld [tilespmem:$0x60];
	_ =	sdelay $0x4  }
0x8b: {  	v58 =	vshll.u32 v3, $0x2  }
0x8c: {  	v3 =	vand.u32 $0x7, v3;
	v4 =	vand.u32 $0xFFFFFFE0, v58  }
0x8d: {  	v3 =	vor.u32 v3, v4  }
0x8e: {  	v4 =	vperm.xlane v3, v0;
	_ =	sdelay $0x1  }
0x8f: {  	v4 =	vadd.s32 v1, v4;
	_ =	sdelay $0x1  }
0x90: {  	v3 =	vperm.xlane v3, v2;
	_ =	sdelay $0x1  }
0x91: {  	s0 =	rddreg [dreg:$0x1e];
	v3 =	vadd.s32 v1, v3  }
0x92: {  	[tilespmem:s9], [sflag:$0x2] =	stream.indirect_vreg.gather [hbm4b:s1+s3], $0x80, v4, vm0, $0xb8;
	[tilespmem:$0x18100] =	vst v63  }
0x93: {  	s10 =	rddreg [dreg:$0x1f]  }
0x94: {  	[tilespmem:s0], [sflag:$0x2] =	stream.indirect_vreg.gather [hbm4b:s4+s3], $0x80, v4, vm0, $0xb8;
	[tilespmem:$0x18100] =	vst v63  }
0x95: {  	s0 =	sld [smem:$0x7FC]  }
0x96: {  	[tilespmem:s10], [sflag:$0x2] =	stream.indirect_vreg.gather [hbm4b:s1+s3], $0x80, v3, vm0, $0xb8;
	[tilespmem:$0x18100] =	vst v63  }
0x97: {  	_ = 	snop  }
0x98: {  	[tilespmem:s0], [sflag:$0x2] =	stream.indirect_vreg.gather [hbm4b:s4+s3], $0x80, v3, vm0, $0xb8;
	[tilespmem:$0x18100] =	vst v63  }
0x99: {  	v3 =	vld [tilespmem:$0x70];
	_ =	sdelay $0x4  }
0x9a: {  	v59 =	vshll.u32 v3, $0x2  }
0x9b: {  	v3 =	vand.u32 $0x7, v3;
	v4 =	vand.u32 $0xFFFFFFE0, v59  }
0x9c: {  	v3 =	vor.u32 v3, v4  }
0x9d: {  	v4 =	vperm.xlane v3, v0;
	_ =	sdelay $0x1  }
0x9e: {  	v4 =	vadd.s32 v1, v4;
	_ =	sdelay $0x1  }
0x9f: {  	s10 =	sld [smem:$0x7FD];
	v3 =	vperm.xlane v3, v2;
	_ =	sdelay $0x1  }
0xa0: {  	v3 =	vadd.s32 v1, v3  }
0xa1: {  	[tilespmem:s10], [sflag:$0x2] =	stream.indirect_vreg.gather [hbm4b:s1+s3], $0x80, v4, vm0, $0xb8;
	[tilespmem:$0x18100] =	vst v63  }
0xa2: {  	s10 =	simm.s32 $0xE900  }
0xa3: {  	[tilespmem:s10], [sflag:$0x2] =	stream.indirect_vreg.gather [hbm4b:s4+s3], $0x80, v4, vm0, $0xb8;
	[tilespmem:$0x18100] =	vst v63  }
0xa4: {  	_ = 	snop  }
0xa5: {  	[tilespmem:s11], [sflag:$0x2] =	stream.indirect_vreg.gather [hbm4b:s1+s3], $0x80, v3, vm0, $0xb8;
	[tilespmem:$0x18100] =	vst v63  }
0xa6: {  	_ = 	snop  }
0xa7: {  	[tilespmem:s12], [sflag:$0x2] =	stream.indirect_vreg.gather [hbm4b:s4+s3], $0x80, v3, vm0, $0xb8;
	[tilespmem:$0x18100] =	vst v63  }
0xa8: {  	v3 =	vld [tilespmem:$0x80];
	_ =	sdelay $0x4  }
0xa9: {  	v60 =	vshll.u32 v3, $0x2  }
0xaa: {  	v3 =	vand.u32 $0x7, v3;
	v4 =	vand.u32 $0xFFFFFFE0, v60  }
0xab: {  	v3 =	vor.u32 v3, v4  }
0xac: {  	v4 =	vperm.xlane v3, v0;
	_ =	sdelay $0x1  }
0xad: {  	v4 =	vadd.s32 v1, v4;
	_ =	sdelay $0x1  }
0xae: {  	v3 =	vperm.xlane v3, v2;
	_ =	sdelay $0x1  }
0xaf: {  	v3 =	vadd.s32 v1, v3  }
0xb0: {  	[tilespmem:s13], [sflag:$0x2] =	stream.indirect_vreg.gather [hbm4b:s1+s3], $0x80, v4, vm0, $0xb8;
	[tilespmem:$0x18100] =	vst v63  }
0xb1: {  	_ = 	snop  }
0xb2: {  	[tilespmem:s14], [sflag:$0x2] =	stream.indirect_vreg.gather [hbm4b:s4+s3], $0x80, v4, vm0, $0xb8;
	[tilespmem:$0x18100] =	vst v63  }
0xb3: {  	_ = 	snop  }
0xb4: {  	[tilespmem:s15], [sflag:$0x2] =	stream.indirect_vreg.gather [hbm4b:s1+s3], $0x80, v3, vm0, $0xb8;
	[tilespmem:$0x18100] =	vst v63  }
0xb5: {  	_ = 	snop  }
0xb6: {  	[tilespmem:s16], [sflag:$0x2] =	stream.indirect_vreg.gather [hbm4b:s4+s3], $0x80, v3, vm0, $0xb8;
	[tilespmem:$0x18100] =	vst v63  }
0xb7: {  	v3 =	vld [tilespmem:$0x90];
	_ =	sdelay $0x4  }
0xb8: {  	v61 =	vshll.u32 v3, $0x2  }
0xb9: {  	v3 =	vand.u32 $0x7, v3;
	v4 =	vand.u32 $0xFFFFFFE0, v61  }
0xba: {  	v3 =	vor.u32 v3, v4  }
0xbb: {  	v4 =	vperm.xlane v3, v0;
	_ =	sdelay $0x1  }
0xbc: {  	v4 =	vadd.s32 v1, v4;
	_ =	sdelay $0x1  }
0xbd: {  	v3 =	vperm.xlane v3, v2;
	_ =	sdelay $0x1  }
0xbe: {  	v3 =	vadd.s32 v1, v3  }
0xbf: {  	[tilespmem:s17], [sflag:$0x2] =	stream.indirect_vreg.gather [hbm4b:s1+s3], $0x80, v4, vm0, $0xb8;
	[tilespmem:$0x18100] =	vst v63  }
0xc0: {  	_ = 	snop  }
0xc1: {  	[tilespmem:s18], [sflag:$0x2] =	stream.indirect_vreg.gather [hbm4b:s4+s3], $0x80, v4, vm0, $0xb8;
	[tilespmem:$0x18100] =	vst v63  }
0xc2: {  	_ = 	snop  }
0xc3: {  	[tilespmem:s19], [sflag:$0x2] =	stream.indirect_vreg.gather [hbm4b:s1+s3], $0x80, v3, vm0, $0xb8;
	[tilespmem:$0x18100] =	vst v63  }
0xc4: {  	_ = 	snop  }
0xc5: {  	[tilespmem:s20], [sflag:$0x2] =	stream.indirect_vreg.gather [hbm4b:s4+s3], $0x80, v3, vm0, $0xb8;
	[tilespmem:$0x18100] =	vst v63  }
0xc6: {  	v3 =	vld [tilespmem:$0xA0];
	_ =	sdelay $0x4  }
0xc7: {  	v62 =	vshll.u32 v3, $0x2  }
0xc8: {  	v3 =	vand.u32 $0x7, v3;
	v4 =	vand.u32 $0xFFFFFFE0, v62  }
0xc9: {  	v3 =	vor.u32 v3, v4  }
0xca: {  	v4 =	vperm.xlane v3, v0;
	_ =	sdelay $0x1  }
0xcb: {  	v4 =	vadd.s32 v1, v4;
	_ =	sdelay $0x1  }
0xcc: {  	v3 =	vperm.xlane v3, v2;
	_ =	sdelay $0x1  }
0xcd: {  	v3 =	vadd.s32 v1, v3  }
0xce: {  	[tilespmem:s21], [sflag:$0x2] =	stream.indirect_vreg.gather [hbm4b:s1+s3], $0x80, v4, vm0, $0xb8;
	[tilespmem:$0x18100] =	vst v63  }
0xcf: {  	_ = 	snop  }
0xd0: {  	[tilespmem:s22], [sflag:$0x2] =	stream.indirect_vreg.gather [hbm4b:s4+s3], $0x80, v4, vm0, $0xb8;
	[tilespmem:$0x18100] =	vst v63  }
0xd1: {  	_ = 	snop  }
0xd2: {  	[tilespmem:s23], [sflag:$0x2] =	stream.indirect_vreg.gather [hbm4b:s1+s3], $0x80, v3, vm0, $0xb8;
	[tilespmem:$0x18100] =	vst v63  }
0xd3: {  	_ = 	snop  }
0xd4: {  	[tilespmem:s24], [sflag:$0x2] =	stream.indirect_vreg.gather [hbm4b:s4+s3], $0x80, v3, vm0, $0xb8;
	[tilespmem:$0x18100] =	vst v63  }
0xd5: {  	v3 =	vld [tilespmem:$0xB0];
	_ =	sdelay $0x4  }
0xd6: {  	v63 =	vshll.u32 v3, $0x2  }
0xd7: {  	v3 =	vand.u32 $0x7, v3;
	v4 =	vand.u32 $0xFFFFFFE0, v63  }
0xd8: {  	v3 =	vor.u32 v3, v4  }
0xd9: {  	v4 =	vperm.xlane v3, v0;
	_ =	sdelay $0x1  }
0xda: {  	v4 =	vadd.s32 v1, v4;
	_ =	sdelay $0x1  }
0xdb: {  	v3 =	vperm.xlane v3, v2;
	_ =	sdelay $0x1  }
0xdc: {  	v3 =	vadd.s32 v1, v3  }
0xdd: {  	[tilespmem:s25], [sflag:$0x2] =	stream.indirect_vreg.gather [hbm4b:s1+s3], $0x80, v4, vm0, $0xb8;
	[tilespmem:$0x18100] =	vst v63  }
0xde: {  	_ = 	snop  }
0xdf: {  	[tilespmem:s26], [sflag:$0x2] =	stream.indirect_vreg.gather [hbm4b:s4+s3], $0x80, v4, vm0, $0xb8;
	[tilespmem:$0x18100] =	vst v63  }
0xe0: {  	_ = 	snop  }
0xe1: {  	[tilespmem:s28], [sflag:$0x2] =	stream.indirect_vreg.gather [hbm4b:s1+s3], $0x80, v3, vm0, $0xb8;
	[tilespmem:$0x18100] =	vst v63  }
0xe2: {  	_ = 	snop  }
0xe3: {  	[tilespmem:s29], [sflag:$0x2] =	stream.indirect_vreg.gather [hbm4b:s4+s3], $0x80, v3, vm0, $0xb8;
	[tilespmem:$0x18100] =	vst v63  }
0xe4: {  	s10 =	rddreg [dreg:$0x5]  }
0xe5: {  	[hbm4b:s10+s3] =	stream.linear.scatter [tilespmem:s7], [sflag:$0x3], $0xC000, $0x38;
	[tilespmem:$0x18100] =	vst v63  }
0xe6: {  	_ =	swait.ge [sflag:s30], $0xC000  }
0xe7: {  	[sflag:s30] =	ssyncset.done $0x0  }
0xe8: {  	s10 =	rddreg [dreg:$0x6];
	[sflag:s30] =	ssyncadd.s32 $0xFFFF4000  }
0xe9: {  	[hbm4b:s10+s3] =	stream.linear.scatter [tilespmem:s9], [sflag:$0x4], $0xC000, $0x38;
	[tilespmem:$0x18100] =	vst v63  }
0xea: {  	p0 =	sne.s32 s5, $0x1;
	_ =	swait.ge [sflag:s31], $0xC000  }
.Ltmp0:
0xeb: {  	[sflag:s31] =	ssyncset.done $0x0;
	(pc) =	sbr.rel @p0 .LBB2_1-.Ltmp0, $4  }
0xec: {  	[sflag:s31] =	ssyncadd.s32 $0xFFFF4000  }
0xed: {  	_ =	swait.ge [sflag:s2], $0xC000  }
0xee: {  	[sflag:s2] =	ssyncset.done $0x0  }
0xef: {  	s5 =	sadd.s32 $0xFFFFFFFF, s5;
	[sflag:s2] =	ssyncadd.s32 $0xFFFF4000  }
0xf0: {  	_ =	sfence.sel $0x180000  }
0xf1: {  	[bflag:$0x0] =	sbarrier.arrive $0xFFFF  }
0xf2: {  	_ =	strace $0x9000004A  }
0xf3: {  	s0 =	stileid.u32;
	[bflag:$0x2] =	sbarrier.arrive $0xFFFF  }
0xf4: {  	p0 =	sne.s32 s0, $0x0;
	s0 =	rddreg [dreg:$0x3]  }
0xf5: {  	s0 =	sadd.s32 @!p0 $0x100000, s0  }
0xf6: {  	[sflag:s0] =	ssyncadd.tile.s32 @!p0 $0x1;
	_ =	shalt  }
.Lfunc_end2:
_tile_overlayer_lowered:
.L_overlay_start_2:
0xf7: {  	(tag) =	ssettag $0x2  }
0xf8: {  	s0 =	rddreg [dreg:$0x0];
	s2 =	stileid.u32  }
0xf9: {  	s1 =	rddreg [dreg:$0x1];
	p0 =	sne.s32 s2, $0x0  }
0xfa: {  	s3 =	rddreg [dreg:$0x2];
	[bflag:$0x3] =	sbarrier.arrive $0xFFFF;
	s2 =	simm.s32 @!p0 $0x1C05  }
0xfb: {  	[timem:s3], [sflag:s2] =	dma.local @!p0 [hbm:s0], s1  }
0xfc: {  	s0 =	simm.s32 @!p0 $0x5  }
0xfd: {  	_ =	swait.ge @!p0 [sflag:s0], s1  }
0xfe: {  	s1 =	ssub.s32 @!p0 $0x0, s1;
	[sflag:s0] =	ssyncset.done @!p0 $0x0  }
0xff: {  	[sflag:s0] =	ssyncadd.s32 @!p0 s1  }
0x100: {  	[bflag:$0x3] =	sbarrier.arrive $0xFFFF  }
0x101: {  	_ =	shalt  }

// kernel: kernel.9.cloned.1.call-start
scs
__scs_entry_jumppad:
0x0: {  	(pc) =	sbr.rel $0x88, $3  }
0x1: {  	(tag) =	ssettag $0x0;
	lr =	simm.s32 $0x1  }
0x2: {  	[smem:$0x3F9F] =	sst lr;
	_ =	strace $0xD0000000  }
0x3: {  	_ = 	snop  }
0x4: {  	_ = 	snop  }
0x5: {  	_ = 	snop  }
0x6: {  	_ = 	snop  }
0x7: {  	_ = 	snop  }
__scs_overlays_trampoline_lowered:
0x8: {  	[smem:$0x3FAE] =	sst s0  }
0x9: {  	[smem:$0x3FAF] =	sst s1  }
0xa: {  	[smem:$0x3FB0] =	sst s2  }
0xb: {  	[smem:$0x3FB1] =	sst s3  }
0xc: {  	[smem:$0x3FB2] =	sst s4  }
0xd: {  	[smem:$0x3FB3] =	sst s5  }
0xe: {  	[smem:$0x3FB4] =	sst s6  }
0xf: {  	[smem:$0x3FB5] =	sst s7  }
0x10: {  	[smem:$0x3FB6] =	sst s8  }
0x11: {  	[smem:$0x3FB7] =	sst s9;
	s0 =	simm.s32 @!p0 $0x0  }
0x12: {  	s1 =	sld [smem:$0x3F9D];
	s0 =	simm.s32 @p0 $0x1  }
0x13: {  	[smem:$0x3FB8] =	sst s0;
	s0 =	simm.s32 @!p1 $0x0  }
0x14: {  	s2 =	sld [smem:$0x3F9C];
	s0 =	simm.s32 @p1 $0x1  }
0x15: {  	[smem:$0x3FB9] =	sst s0;
	s0 =	simm.s32 @!p2 $0x0  }
0x16: {  	s3 =	sld [smem:$0x3FDB];
	s0 =	simm.s32 @p2 $0x1  }
0x17: {  	s4 =	simm.s32 $0x1BF5;
	[smem:$0x3FBB] =	sst s0  }
0x18: {  	s0 =	sld [smem:$0x3F9E];
	_ =	swait.ge [sflag:s4], $0x0  }
0x19: {  	s7 =	sld [smem:$0x3F9F]  }
0x1a: {  	s8 =	sadd.s32 $0xFFFFE003, lr  }
0x1b: {  	s9 =	sadd.s32 $0xFFFFFEF7, lr;
	s5 =	simm.s32 $0xFFFFFFFF;
	p2 =	slt.u32 s8, $0xFFFFF086  }
0x1c: {  	p1 =	slt.u32 s9, $0xF7A;
	s5 =	simm.s32 @!p2 $0x0  }
0x1d: {  	s5 =	simm.s32 @p1 $0x1;
	p0 =	seq.s32 s7, s2  }
0x1e: {  	s7 =	smul.u32 @!p0 $0xF7A, s2;
	p2 =	seq.s32 @!p0 s5, $0x0  }
0x1f: {  	s9 =	smul.u32 $0xF7A, s1;
	s8 =	simm.s32 @!p0 $0x1BF5;
	p2 =	por !p2, p0  }
0x20: {  	[sflag:s8] =	ssyncset.s32 @!p0 $0xFFFFF086;
	s6 =	sadd.s32 @!p0 s3, s7;
	s7 =	simm.s32 @!p0 $0x108  }
0x21: {  	s3 =	sadd.s32 s3, s9;
	s6 =	sadd.s32 @!p0 $0x88, s6;
	s7 =	simm.s32 @p2 $0x1082  }
0x22: {  	[simem:s7], [sflag:s8] =	dma.local @!p0 [hbm:s6], $0xF7A  }
0x23: {  	s9 =	sor.u32 $0xD0000000, s2;
	s6 =	simm.s32 $0x108;
	_ =	swait.ge @!p0 [sflag:s8], $0x0  }
0x24: {  	s3 =	sadd.s32 $0x88, s3;
	s6 =	simm.s32 @!p1 $0x1082;
	[sflag:s4] =	ssyncset.s32 $0xFFFFF086  }
0x25: {  	[simem:s6], [sflag:s4] =	dma.local [hbm:s3], $0xF7A  }
0x26: {  	[smem:$0x3F9F] =	sst s1;
	(tag) =	ssettag s2;
	_ =	strace s9  }
0x27: {  	s1 =	sld [smem:$0x3FAF]  }
0x28: {  	s2 =	sld [smem:$0x3FB0]  }
0x29: {  	s4 =	sld [smem:$0x3FB2]  }
0x2a: {  	p0 =	seq.s32 s5, $0x0;
	s5 =	sld [smem:$0x3FB3]  }
0x2b: {  	s6 =	sld [smem:$0x3FB4]  }
0x2c: {  	s7 =	sld [smem:$0x3FB5]  }
0x2d: {  	s3 =	simm.s32 $0x108;
	s8 =	sld [smem:$0x3FB6]  }
0x2e: {  	s3 =	simm.s32 @!p0 $0x1082;
	s9 =	sld [smem:$0x3FB7]  }
0x2f: {  	lr =	sadd.s32 s0, s3;
	s0 =	sld [smem:$0x3FAE]  }
0x30: {  	s3 =	sld [smem:$0x3FB1]  }
0x31: {  	[smem:$0x3FBA] =	sst s10  }
0x32: {  	s10 =	sld [smem:$0x3FB8];
	_ =	sdelay $0x3  }
0x33: {  	p0 =	seq.s32 s10, $0x1;
	s10 =	sld [smem:$0x3FBA];
	_ =	sdelay $0x3  }
0x34: {  	[smem:$0x3FBA] =	sst s10  }
0x35: {  	s10 =	sld [smem:$0x3FB9];
	_ =	sdelay $0x3  }
0x36: {  	p1 =	seq.s32 s10, $0x1;
	s10 =	sld [smem:$0x3FBA];
	_ =	sdelay $0x3  }
0x37: {  	[smem:$0x3FBA] =	sst s10  }
0x38: {  	s10 =	sld [smem:$0x3FBB]  }
0x39: {  	_ = 	snop;
	(pc) =	sbr.ind lr, $3  }
0x3a: {  	_ = 	snop  }
0x3b: {  	_ = 	snop  }
0x3c: {  	p2 =	seq.s32 s10, $0x1;
	s10 =	sld [smem:$0x3FBA]  }
0x3d: {  	_ =	shalt  }
0x3e: {  	_ =	shalt  }
0x3f: {  	_ =	shalt  }
0x40: {  	_ =	shalt  }
0x41: {  	_ =	shalt  }
0x42: {  	_ =	shalt  }
0x43: {  	_ =	shalt  }
0x44: {  	_ =	shalt  }
0x45: {  	_ =	shalt  }
0x46: {  	_ =	shalt  }
0x47: {  	_ =	shalt  }
0x48: {  	_ =	shalt  }
0x49: {  	_ =	shalt  }
0x4a: {  	_ =	shalt  }
0x4b: {  	_ =	shalt  }
0x4c: {  	_ =	shalt  }
0x4d: {  	_ =	shalt  }
0x4e: {  	_ =	shalt  }
0x4f: {  	_ =	shalt  }
0x50: {  	_ =	shalt  }
0x51: {  	_ =	shalt  }
0x52: {  	_ =	shalt  }
0x53: {  	_ =	shalt  }
0x54: {  	_ =	shalt  }
0x55: {  	_ =	shalt  }
0x56: {  	_ =	shalt  }
0x57: {  	_ =	shalt  }
0x58: {  	_ =	shalt  }
0x59: {  	_ =	shalt  }
0x5a: {  	_ =	shalt  }
0x5b: {  	_ =	shalt  }
0x5c: {  	_ =	shalt  }
0x5d: {  	_ =	shalt  }
0x5e: {  	_ =	shalt  }
0x5f: {  	_ =	shalt  }
0x60: {  	_ =	shalt  }
0x61: {  	_ =	shalt  }
0x62: {  	_ =	shalt  }
0x63: {  	_ =	shalt  }
0x64: {  	_ =	shalt  }
0x65: {  	_ =	shalt  }
0x66: {  	_ =	shalt  }
0x67: {  	_ =	shalt  }
0x68: {  	_ =	shalt  }
0x69: {  	_ =	shalt  }
0x6a: {  	_ =	shalt  }
0x6b: {  	_ =	shalt  }
0x6c: {  	_ =	shalt  }
0x6d: {  	_ =	shalt  }
0x6e: {  	_ =	shalt  }
0x6f: {  	_ =	shalt  }
0x70: {  	_ =	shalt  }
0x71: {  	_ =	shalt  }
0x72: {  	_ =	shalt  }
0x73: {  	_ =	shalt  }
0x74: {  	_ =	shalt  }
0x75: {  	_ =	shalt  }
0x76: {  	_ =	shalt  }
0x77: {  	_ =	shalt  }
0x78: {  	_ =	shalt  }
0x79: {  	_ =	shalt  }
0x7a: {  	_ =	shalt  }
0x7b: {  	_ =	shalt  }
0x7c: {  	_ =	shalt  }
0x7d: {  	_ =	shalt  }
0x7e: {  	_ =	shalt  }
0x7f: {  	_ =	shalt  }
0x80: {  	_ =	shalt  }
0x81: {  	_ =	shalt  }
0x82: {  	_ =	shalt  }
0x83: {  	_ =	shalt  }
0x84: {  	_ =	shalt  }
0x85: {  	_ =	shalt  }
0x86: {  	_ =	shalt  }
0x87: {  	_ =	shalt  }
.Lfunc_end0:
.L_simem_size_0:
called_computation.1_lowered:
.L_overlay_start_0:
0x88: {  	s2 =	sld [smem:$0x3FD9]  }
0x89: {  	s3 =	sld [smem:$0x3FFE];
	_ =	sdelay $0x1  }
0x8a: {  	s1 =	srdreg.scid  }
0x8b: {  	s0 =	sand.u32 $0x1, s1  }
0x8c: {  	s17 =	sshll.u32 s0, $0xA;
	s2 =	sadd.s32 s3, s2  }
0x8d: {  	s2 =	sadd.s32 s2, s17  }
0x8e: {  	[smem:$0x3FC6] =	sst s2  }
0x8f: {  	_ = 	snop  }
0x90: {  	s2 =	sld [smem:$0x3FC8];
	(tm) =	ssettm $0x1  }
0x91: {  	s18 =	sld [smem:$0x3FFB];
	_ =	sdelay $0x3  }
0x92: {  	_ =	strace s18  }
0x93: {  	s3 =	sld [smem:$0x3FFC];
	_ =	sdelay $0x3  }
0x94: {  	_ =	strace s3  }
0x95: {  	s3 =	sld [smem:$0x3FFD];
	_ =	sdelay $0x3  }
0x96: {  	_ =	strace s3  }
0x97: {  	_ =	strace $0x8FFFFFFF  }
0x98: {  	s19 =	sld [smem:$0x3FDB];
	_ =	sdelay $0x1  }
0x99: {  	s4 =	simm.s32 $_scs_section_size  }
0x9a: {  	s5 =	simm.s32 $_size__tile_overlayer_lowered;
	s6 =	simm.s32 $_tile_overlayer_lowered  }
0x9b: {  	s22 =	simm.s32 $0x1BFF;
	s21 =	sshll.u32 s6, $0x1;
	s3 =	sadd.s32 s4, s19  }
0x9c: {  	s7 =	simm.s32 $0x0;
	s20 =	sshll.u32 s5, $0x1;
	s5 =	sadd.s32 s21, s3  }
0x9d: {  	[timem:s7], [sflag:s22] =	dma.local [hbm:s5], s20  }
0x9e: {  	_ =	swait.ge [sflag:s22], s20  }
0x9f: {  	s4 =	ssub.s32 $0x0, s20;
	[sflag:s22] =	ssyncset.done $0x0  }
0xa0: {  	[sflag:s22] =	ssyncadd.s32 s4;
	_ =	sdelay $0x1  }
0xa1: {  	s23 =	simm.s32 $0x1B8B  }
0xa2: {  	_ =	swait.ge [sflag:s23], $0x1  }
0xa3: {  	[sflag:s23] =	ssyncset.done $0x0  }
0xa4: {  	s25 =	simm.s32 $0x1B8E;
	s24 =	sld [smem:$0x3FFE];
	[sflag:s23] =	ssyncadd.s32 $0xFFFFFFFF  }
0xa5: {  	s26 =	simm.s32 $execute0_lowered;
	[smem:$0x3FD2] =	sst s25  }
0xa6: {  	s5 =	sshll.u32 s26, $0x1;
	_ =	strace $0x80000046;
	[dreg:$0x1] =	wrdreg $0xFFFFFFFF  }
0xa7: {  	s28 =	simm.s32 $_size_execute0_lowered;
	s3 =	sadd.s32 s3, s5;
	[dreg:$0x0] =	wrdreg $0x0  }
0xa8: {  	s5 =	sshll.u32 s28, $0x1;
	[dreg:$0x2] =	wrdreg s3  }
0xa9: {  	[dreg:$0x3] =	wrdreg s5  }
0xaa: {  	[dreg:$0x4] =	wrdreg $0xC0  }
0xab: {  	_ =	task [dreg:s7], $0x5FFFF  }
0xac: {  	[dreg:$0x1] =	wrdreg $0xFFFFFFFF  }
0xad: {  	[dreg:$0x0] =	wrdreg $0x60  }
0xae: {  	[dreg:$0x2] =	wrdreg s2  }
0xaf: {  	[dreg:$0x3] =	wrdreg s24  }
0xb0: {  	[dreg:$0x4] =	wrdreg $0xA  }
0xb1: {  	_ =	task.clear_ibuf [dreg:s7], $0x5FFFF;
	_ =	strace $0x90000046  }
0xb2: {  	s29 =	simm.s32 $0xA;
	_ =	strace $0x80000048  }
0xb3: {  	_ =	swait.ge [sflag:s29], $0x1  }
0xb4: {  	[sflag:s29] =	ssyncadd.s32 $0xFFFFFFFF  }
0xb5: {  	_ =	strace $0x90000048  }
0xb6: {  	_ =	sfence  }
0xb7: {  	s30 =	sld [smem:$0x0];
	_ =	sdelay $0x2  }
0xb8: {  	s31 =	sshll.u32 s1, $0xD;
	s1 =	sshrl.u32 s1, $0x2  }
0xb9: {  	s3 =	sand.u32 $0x4000, s31;
	s1 =	sadd.s32 s1, s30  }
0xba: {  	s0 =	sor.u32 s3, s0;
	s1 =	sshll.u32 s1, $0x11  }
0xbb: {  	s0 =	sor.u32 s1, s0  }
0xbc: {  	s0 =	sadd.s32 $0x8F2B, s0  }
0xbd: {  	[sflag:s0] =	ssyncadd.remote.s32 $0x1  }
0xbe: {  	_ =	sfence.sel $0xFFFF  }
0xbf: {  	[dreg:$0x0] =	wrdreg $0xFFFFFFFF;
	(pc) =	sbr.abs _section_cstart, $3  }
0xc0: {  	[dreg:$0x1] =	wrdreg $0xFFFFFFFF  }
0xc1: {  	_ =	task.clear_ibuf [dreg:s7], $0x2FFFF;
	_ =	strace $0x9FFFFFFF  }
0xc2: {  	(tm) =	ssettm $0x7FFFFFFF  }
0xc3: {  	_ =	shalt  }
tec
execute0_lowered:
.L_overlay_start_1:
0x0: {  	(tag) =	ssettag $0x1  }
0x1: {  	s2 =	rddreg [dreg:$0x0];
	s1 =	srdreg.scid  }
0x2: {  	s0 =	stileid.u32;
	s4 =	rddreg [dreg:$0x1];
	s3 =	simm.s32 $0x0  }
0x3: {  	s24 =	simm.s32 $0x880;
	s25 =	simm.s32 $0x1080;
	s26 =	simm.s32 $0x1880  }
0x4: {  	s9 =	simm.s32 $0x2880;
	s10 =	simm.s32 $0x3080;
	s11 =	simm.s32 $0x3880  }
0x5: {  	s12 =	simm.s32 $0x4080;
	s13 =	simm.s32 $0x4880;
	s14 =	simm.s32 $0x5080  }
0x6: {  	s15 =	simm.s32 $0x5880;
	s16 =	simm.s32 $0x1;
	s17 =	simm.s32 $0x6080  }
0x7: {  	s18 =	simm.s32 $0x6880;
	s19 =	simm.s32 $0x7080;
	s20 =	simm.s32 $0x7880  }
0x8: {  	s21 =	simm.s32 $0x8080;
	s22 =	simm.s32 $0x8880;
	s28 =	simm.s32 $0xB080  }
0x9: {  	s29 =	simm.s32 $0xB880;
	s30 =	simm.s32 $0x2;
	[smem:$0x7FF] =	sst s3  }
0xa: {  	s31 =	simm.s32 $0x3;
	_ =	strace $0x80000047;
	[dreg:$0x6] =	wrdreg s24  }
0xb: {  	s1 =	sand.u32 $0x1, s1;
	s5 =	sshll.u32 s0, $0x1;
	[dreg:$0x7] =	wrdreg s25  }
0xc: {  	s5 =	sor.u32 s1, s5;
	s1 =	ssub.s32 $0x2, s1;
	[dreg:$0x8] =	wrdreg s26  }
0xd: {  	s24 =	simm.s32 $0x9880;
	s25 =	simm.s32 $0xA080;
	s6 =	smul.u32 $0xC, s5  }
0xe: {  	s26 =	simm.s32 $0xA880;
	s7 =	smul.u32 $0xC000, s5;
	s23 =	sshrl.u32 s1, $0x1  }
0xf: {  	s5 =	smul.u32 $0x1800, s5;
	s1 =	ssub.s32 s1, s23;
	s6 =	sadd.s32 s6, s4  }
0x10: {  	s23 =	simm.s32 $0x9080;
	s4 =	sadd.s32 $0x1000, s4;
	s6 =	sadd.s32 $0xE00, s6  }
0x11: {  	s7 =	sshrl.u32 s7, $0x3;
	s5 =	sadd.s32 s4, s5;
	[dreg:$0x3] =	wrdreg s6  }
0x12: {  	v2 =	vlaneseq.u32;
	s4 =	sadd.s32 s4, s7;
	s7 =	simm.s32 $0x80;
	[dreg:$0x4] =	wrdreg s5  }
0x13: {  	vm0 =	vmmov $0xffff;
	v1 =	vshrl.u32 v2, $0x3;
	s4 =	sadd.s32 $0xC00, s4;
	s5 =	smax.u32 s1, $0x1;
	s6 =	simm.s32 $0x5  }
0x14: {  	v0 =	vand.u32 $0x7, v2;
	v2 =	vor.u32 $0x8, v2;
	v1 =	vmul.u32 $0x8, v1;
	s1 =	simm.s32 $0x4;
	[dreg:$0x5] =	wrdreg s4;
	s4 =	sadd.s32 $0x100, s2  }
.LBB2_1:
0x15: {  	s0 =	rddreg [dreg:$0x3]  }
0x16: {  	[tilespmem:s3], [sflag:$0x5] =	stream.linear.gather [hbm4b:s0+s3], $0x60, $0x38;
	[tilespmem:$0xC080] =	vst v63  }
0x17: {  	_ =	swait.ge [sflag:s6], $0x60  }
0x18: {  	[sflag:s6] =	ssyncset.done $0x0  }
0x19: {  	[sflag:s6] =	ssyncadd.s32 $0xFFFFFFA0  }
0x1a: {  	v3 =	vld [tilespmem:$0x0];
	_ =	sdelay $0x4  }
0x1b: {  	v4 =	vshll.u32 v3, $0x2  }
0x1c: {  	v3 =	vand.u32 $0x7, v3;
	v4 =	vand.u32 $0xFFFFFFE0, v4  }
0x1d: {  	v3 =	vor.u32 v3, v4  }
0x1e: {  	v4 =	vperm.xlane v3, v0;
	_ =	sdelay $0x1  }
0x1f: {  	v4 =	vadd.s32 v1, v4;
	_ =	sdelay $0x1  }
0x20: {  	v3 =	vperm.xlane v3, v2;
	_ =	sdelay $0x1  }
0x21: {  	v3 =	vadd.s32 v1, v3  }
0x22: {  	[tilespmem:s7], [sflag:$0x1] =	stream.indirect_vreg.gather [hbm4b:s2+s3], $0x80, v4, vm0, $0xb8;
	[tilespmem:$0xC080] =	vst v63  }
0x23: {  	s0 =	rddreg [dreg:$0x6]  }
0x24: {  	[tilespmem:s0], [sflag:$0x1] =	stream.indirect_vreg.gather [hbm4b:s4+s3], $0x80, v4, vm0, $0xb8;
	[tilespmem:$0xC080] =	vst v63  }
0x25: {  	s8 =	rddreg [dreg:$0x7]  }
0x26: {  	[tilespmem:s8], [sflag:$0x1] =	stream.indirect_vreg.gather [hbm4b:s2+s3], $0x80, v3, vm0, $0xb8;
	[tilespmem:$0xC080] =	vst v63  }
0x27: {  	s0 =	rddreg [dreg:$0x8]  }
0x28: {  	[tilespmem:s0], [sflag:$0x1] =	stream.indirect_vreg.gather [hbm4b:s4+s3], $0x80, v3, vm0, $0xb8;
	[tilespmem:$0xC080] =	vst v63  }
0x29: {  	v3 =	vld [tilespmem:$0x10];
	_ =	sdelay $0x4  }
0x2a: {  	v59 =	vshll.u32 v3, $0x2  }
0x2b: {  	v3 =	vand.u32 $0x7, v3;
	v4 =	vand.u32 $0xFFFFFFE0, v59  }
0x2c: {  	v3 =	vor.u32 v3, v4  }
0x2d: {  	v4 =	vperm.xlane v3, v0;
	_ =	sdelay $0x1  }
0x2e: {  	v4 =	vadd.s32 v1, v4;
	_ =	sdelay $0x1  }
0x2f: {  	v3 =	vperm.xlane v3, v2;
	_ =	sdelay $0x1  }
0x30: {  	s8 =	simm.s32 $0x2080;
	v3 =	vadd.s32 v1, v3  }
0x31: {  	[tilespmem:s8], [sflag:$0x1] =	stream.indirect_vreg.gather [hbm4b:s2+s3], $0x80, v4, vm0, $0xb8;
	[tilespmem:$0xC080] =	vst v63  }
0x32: {  	_ = 	snop  }
0x33: {  	[tilespmem:s9], [sflag:$0x1] =	stream.indirect_vreg.gather [hbm4b:s4+s3], $0x80, v4, vm0, $0xb8;
	[tilespmem:$0xC080] =	vst v63  }
0x34: {  	_ = 	snop  }
0x35: {  	[tilespmem:s10], [sflag:$0x1] =	stream.indirect_vreg.gather [hbm4b:s2+s3], $0x80, v3, vm0, $0xb8;
	[tilespmem:$0xC080] =	vst v63  }
0x36: {  	_ = 	snop  }
0x37: {  	[tilespmem:s11], [sflag:$0x1] =	stream.indirect_vreg.gather [hbm4b:s4+s3], $0x80, v3, vm0, $0xb8;
	[tilespmem:$0xC080] =	vst v63  }
0x38: {  	v3 =	vld [tilespmem:$0x20];
	_ =	sdelay $0x4  }
0x39: {  	v60 =	vshll.u32 v3, $0x2  }
0x3a: {  	v3 =	vand.u32 $0x7, v3;
	v4 =	vand.u32 $0xFFFFFFE0, v60  }
0x3b: {  	v3 =	vor.u32 v3, v4  }
0x3c: {  	v4 =	vperm.xlane v3, v0;
	_ =	sdelay $0x1  }
0x3d: {  	v4 =	vadd.s32 v1, v4;
	_ =	sdelay $0x1  }
0x3e: {  	v3 =	vperm.xlane v3, v2;
	_ =	sdelay $0x1  }
0x3f: {  	v3 =	vadd.s32 v1, v3  }
0x40: {  	[tilespmem:s12], [sflag:$0x1] =	stream.indirect_vreg.gather [hbm4b:s2+s3], $0x80, v4, vm0, $0xb8;
	[tilespmem:$0xC080] =	vst v63  }
0x41: {  	_ = 	snop  }
0x42: {  	[tilespmem:s13], [sflag:$0x1] =	stream.indirect_vreg.gather [hbm4b:s4+s3], $0x80, v4, vm0, $0xb8;
	[tilespmem:$0xC080] =	vst v63  }
0x43: {  	_ = 	snop  }
0x44: {  	[tilespmem:s14], [sflag:$0x1] =	stream.indirect_vreg.gather [hbm4b:s2+s3], $0x80, v3, vm0, $0xb8;
	[tilespmem:$0xC080] =	vst v63  }
0x45: {  	_ = 	snop  }
0x46: {  	[tilespmem:s15], [sflag:$0x1] =	stream.indirect_vreg.gather [hbm4b:s4+s3], $0x80, v3, vm0, $0xb8;
	[tilespmem:$0xC080] =	vst v63  }
0x47: {  	_ =	swait.ge [sflag:s16], $0x6000  }
0x48: {  	[sflag:s16] =	ssyncset.done $0x0  }
0x49: {  	[sflag:s16] =	ssyncadd.s32 $0xFFFFA000  }
0x4a: {  	v3 =	vld [tilespmem:$0x30];
	_ =	sdelay $0x4  }
0x4b: {  	v61 =	vshll.u32 v3, $0x2  }
0x4c: {  	v3 =	vand.u32 $0x7, v3;
	v4 =	vand.u32 $0xFFFFFFE0, v61  }
0x4d: {  	v3 =	vor.u32 v3, v4  }
0x4e: {  	v4 =	vperm.xlane v3, v0;
	_ =	sdelay $0x1  }
0x4f: {  	v4 =	vadd.s32 v1, v4;
	_ =	sdelay $0x1  }
0x50: {  	v3 =	vperm.xlane v3, v2;
	_ =	sdelay $0x1  }
0x51: {  	v3 =	vadd.s32 v1, v3  }
0x52: {  	[tilespmem:s17], [sflag:$0x2] =	stream.indirect_vreg.gather [hbm4b:s2+s3], $0x80, v4, vm0, $0xb8;
	[tilespmem:$0xC080] =	vst v63  }
0x53: {  	_ = 	snop  }
0x54: {  	[tilespmem:s18], [sflag:$0x2] =	stream.indirect_vreg.gather [hbm4b:s4+s3], $0x80, v4, vm0, $0xb8;
	[tilespmem:$0xC080] =	vst v63  }
0x55: {  	_ = 	snop  }
0x56: {  	[tilespmem:s19], [sflag:$0x2] =	stream.indirect_vreg.gather [hbm4b:s2+s3], $0x80, v3, vm0, $0xb8;
	[tilespmem:$0xC080] =	vst v63  }
0x57: {  	_ = 	snop  }
0x58: {  	[tilespmem:s20], [sflag:$0x2] =	stream.indirect_vreg.gather [hbm4b:s4+s3], $0x80, v3, vm0, $0xb8;
	[tilespmem:$0xC080] =	vst v63  }
0x59: {  	v3 =	vld [tilespmem:$0x40];
	_ =	sdelay $0x4  }
0x5a: {  	v62 =	vshll.u32 v3, $0x2  }
0x5b: {  	v3 =	vand.u32 $0x7, v3;
	v4 =	vand.u32 $0xFFFFFFE0, v62  }
0x5c: {  	v3 =	vor.u32 v3, v4  }
0x5d: {  	v4 =	vperm.xlane v3, v0;
	_ =	sdelay $0x1  }
0x5e: {  	v4 =	vadd.s32 v1, v4;
	_ =	sdelay $0x1  }
0x5f: {  	v3 =	vperm.xlane v3, v2;
	_ =	sdelay $0x1  }
0x60: {  	v3 =	vadd.s32 v1, v3  }
0x61: {  	[tilespmem:s21], [sflag:$0x2] =	stream.indirect_vreg.gather [hbm4b:s2+s3], $0x80, v4, vm0, $0xb8;
	[tilespmem:$0xC080] =	vst v63  }
0x62: {  	_ = 	snop  }
0x63: {  	[tilespmem:s22], [sflag:$0x2] =	stream.indirect_vreg.gather [hbm4b:s4+s3], $0x80, v4, vm0, $0xb8;
	[tilespmem:$0xC080] =	vst v63  }
0x64: {  	_ = 	snop  }
0x65: {  	[tilespmem:s23], [sflag:$0x2] =	stream.indirect_vreg.gather [hbm4b:s2+s3], $0x80, v3, vm0, $0xb8;
	[tilespmem:$0xC080] =	vst v63  }
0x66: {  	_ = 	snop  }
0x67: {  	[tilespmem:s24], [sflag:$0x2] =	stream.indirect_vreg.gather [hbm4b:s4+s3], $0x80, v3, vm0, $0xb8;
	[tilespmem:$0xC080] =	vst v63  }
0x68: {  	v3 =	vld [tilespmem:$0x50];
	_ =	sdelay $0x4  }
0x69: {  	v63 =	vshll.u32 v3, $0x2  }
0x6a: {  	v3 =	vand.u32 $0x7, v3;
	v4 =	vand.u32 $0xFFFFFFE0, v63  }
0x6b: {  	v3 =	vor.u32 v3, v4  }
0x6c: {  	v4 =	vperm.xlane v3, v0;
	_ =	sdelay $0x1  }
0x6d: {  	v4 =	vadd.s32 v1, v4;
	_ =	sdelay $0x1  }
0x6e: {  	v3 =	vperm.xlane v3, v2;
	_ =	sdelay $0x1  }
0x6f: {  	v3 =	vadd.s32 v1, v3  }
0x70: {  	[tilespmem:s25], [sflag:$0x2] =	stream.indirect_vreg.gather [hbm4b:s2+s3], $0x80, v4, vm0, $0xb8;
	[tilespmem:$0xC080] =	vst v63  }
0x71: {  	_ = 	snop  }
0x72: {  	[tilespmem:s26], [sflag:$0x2] =	stream.indirect_vreg.gather [hbm4b:s4+s3], $0x80, v4, vm0, $0xb8;
	[tilespmem:$0xC080] =	vst v63  }
0x73: {  	_ = 	snop  }
0x74: {  	[tilespmem:s28], [sflag:$0x2] =	stream.indirect_vreg.gather [hbm4b:s2+s3], $0x80, v3, vm0, $0xb8;
	[tilespmem:$0xC080] =	vst v63  }
0x75: {  	_ = 	snop  }
0x76: {  	[tilespmem:s29], [sflag:$0x2] =	stream.indirect_vreg.gather [hbm4b:s4+s3], $0x80, v3, vm0, $0xb8;
	[tilespmem:$0xC080] =	vst v63  }
0x77: {  	s8 =	rddreg [dreg:$0x4]  }
0x78: {  	[hbm4b:s8+s3] =	stream.linear.scatter [tilespmem:s7], [sflag:$0x3], $0x6000, $0x38;
	[tilespmem:$0xC080] =	vst v63  }
0x79: {  	_ =	swait.ge [sflag:s30], $0x6000  }
0x7a: {  	[sflag:s30] =	ssyncset.done $0x0  }
0x7b: {  	s8 =	rddreg [dreg:$0x5];
	[sflag:s30] =	ssyncadd.s32 $0xFFFFA000  }
0x7c: {  	[hbm4b:s8+s3] =	stream.linear.scatter [tilespmem:s17], [sflag:$0x4], $0x6000, $0x38;
	[tilespmem:$0xC080] =	vst v63  }
0x7d: {  	p0 =	sne.s32 s5, $0x1;
	_ =	swait.ge [sflag:s31], $0x6000  }
.Ltmp0:
0x7e: {  	[sflag:s31] =	ssyncset.done $0x0;
	(pc) =	sbr.rel @p0 .LBB2_1-.Ltmp0, $4  }
0x7f: {  	[sflag:s31] =	ssyncadd.s32 $0xFFFFA000  }
0x80: {  	_ =	swait.ge [sflag:s1], $0x6000  }
0x81: {  	[sflag:s1] =	ssyncset.done $0x0  }
0x82: {  	s5 =	sadd.s32 $0xFFFFFFFF, s5;
	[sflag:s1] =	ssyncadd.s32 $0xFFFFA000  }
0x83: {  	_ =	sfence.sel $0x180000  }
0x84: {  	[bflag:$0x0] =	sbarrier.arrive $0xFFFF  }
0x85: {  	_ =	strace $0x90000047  }
0x86: {  	s0 =	stileid.u32;
	[bflag:$0x2] =	sbarrier.arrive $0xFFFF  }
0x87: {  	p0 =	sne.s32 s0, $0x0;
	s0 =	rddreg [dreg:$0x2]  }
0x88: {  	s0 =	sadd.s32 @!p0 $0x100000, s0  }
0x89: {  	[sflag:s0] =	ssyncadd.tile.s32 @!p0 $0x1;
	_ =	shalt  }
.Lfunc_end2:
_tile_overlayer_lowered:
.L_overlay_start_2:
0x8a: {  	(tag) =	ssettag $0x2  }
0x8b: {  	s0 =	rddreg [dreg:$0x0];
	s2 =	stileid.u32  }
0x8c: {  	s1 =	rddreg [dreg:$0x1];
	p0 =	sne.s32 s2, $0x0  }
0x8d: {  	s3 =	rddreg [dreg:$0x2];
	[bflag:$0x3] =	sbarrier.arrive $0xFFFF;
	s2 =	simm.s32 @!p0 $0x1C05  }
0x8e: {  	[timem:s3], [sflag:s2] =	dma.local @!p0 [hbm:s0], s1  }
0x8f: {  	s0 =	simm.s32 @!p0 $0x5  }
0x90: {  	_ =	swait.ge @!p0 [sflag:s0], s1  }
0x91: {  	s1 =	ssub.s32 @!p0 $0x0, s1;
	[sflag:s0] =	ssyncset.done @!p0 $0x0  }
0x92: {  	[sflag:s0] =	ssyncadd.s32 @!p0 s1  }
0x93: {  	[bflag:$0x3] =	sbarrier.arrive $0xFFFF  }
0x94: {  	_ =	shalt  }

</sc_bundles>
